<compile_context>
chip_gen: v7x
topology: tpu7x:2x2x1
jax: 0.10.2.dev20260603
libtpu: 0.0.44.dev20260713+nightly
codegen_flags: <defaults>
</compile_context>

<pallas_src>
import functools

import jax
import jax.numpy as jnp
from jax import lax
from jax.experimental import pallas as pl
from jax.experimental.pallas import tpu as pltpu
from jax.experimental.pallas import tpu_sc as plsc

N = 10000
D = 128
C = 64
E = 320000

_NC = 2
_NS = 16
_NW = _NC * _NS
_EPW = E // _NW
_CHUNK = 80
_NCHUNK = _EPW // _CHUNK
_RPT = 624
_ZR = 16


def _sc_scatter_body(xw_hbm, src_hbm, dst_hbm, out_hbm,
                     src_v, dst_v, rows_v, zbuf, acc_sh, sem):
    c = lax.axis_index("c")
    s = lax.axis_index("s")
    wid = c * _NS + s

    zeros16 = jnp.zeros((16,), jnp.float32)

    def _zb(i, carry):
        zbuf[i // 8, pl.ds((i % 8) * 16, 16)] = zeros16
        return carry

    lax.fori_loop(0, _ZR * 8, _zb, 0)

    def _zc(k, carry):
        pltpu.sync_copy(zbuf, acc_sh.at[pl.ds(s * _RPT + k * _ZR, _ZR)])
        return carry

    lax.fori_loop(0, _RPT // _ZR, _zc, 0)

    @pl.when(s == _NS - 1)
    def _zero_tail():
        pltpu.sync_copy(zbuf, acc_sh.at[pl.ds(_NS * _RPT, N - _NS * _RPT)])

    plsc.subcore_barrier()

    ebase = wid * _EPW

    def _body(i, carry):
        base = ebase + i * _CHUNK
        pltpu.sync_copy(src_hbm.at[pl.ds(base, _CHUNK)], src_v)
        pltpu.sync_copy(dst_hbm.at[pl.ds(base, _CHUNK)], dst_v)
        pltpu.async_copy(xw_hbm.at[src_v], rows_v, sem).wait()
        pltpu.sync_copy(rows_v, acc_sh.at[dst_v], add=True)
        return carry

    lax.fori_loop(0, _NCHUNK, _body, 0)
    plsc.subcore_barrier()

    pltpu.sync_copy(acc_sh.at[pl.ds(s * _RPT, _RPT)],
                    out_hbm.at[c, pl.ds(s * _RPT, _RPT)])

    @pl.when(s == _NS - 1)
    def _write_tail():
        pltpu.sync_copy(acc_sh.at[pl.ds(_NS * _RPT, N - _NS * _RPT)],
                        out_hbm.at[c, pl.ds(_NS * _RPT, N - _NS * _RPT)])


_sc_scatter = functools.partial(
    pl.kernel,
    out_type=jax.ShapeDtypeStruct((_NC, N, D), jnp.float32),
    mesh=plsc.VectorSubcoreMesh(core_axis_name="c", subcore_axis_name="s"),
    scratch_types=[
        pltpu.VMEM((_CHUNK,), jnp.int32),
        pltpu.VMEM((_CHUNK,), jnp.int32),
        pltpu.VMEM((_CHUNK, D), jnp.float32),
        pltpu.VMEM((_ZR, D), jnp.float32),
        pltpu.VMEM_SHARED((N, D), jnp.float32),
        pltpu.SemaphoreType.DMA,
    ],
)(_sc_scatter_body)


_BM = 2000


def _mm_body(x_ref, w_ref, o_ref):
    o_ref[...] = jnp.dot(x_ref[...], w_ref[...],
                         preferred_element_type=jnp.float32)


def _tc_mm(x, w):
    return pl.pallas_call(
        _mm_body,
        grid=(N // _BM,),
        in_specs=[
            pl.BlockSpec((_BM, D), lambda i: (i, 0)),
            pl.BlockSpec((D, D), lambda i: (0, 0)),
        ],
        out_specs=pl.BlockSpec((_BM, D), lambda i: (i, 0)),
        out_shape=jax.ShapeDtypeStruct((N, D), jnp.float32),
    )(x, w)


def _fuse_body(a0_ref, a1_ref, b_ref, w_ref, o_ref):
    h = jnp.maximum(a0_ref[...] + a1_ref[...] + b_ref[...], 0.0)
    o_ref[...] = jnp.dot(h, w_ref[...], preferred_element_type=jnp.float32)


def _tc_relu_mm(a0, a1, b, w):
    return pl.pallas_call(
        _fuse_body,
        grid=(N // _BM,),
        in_specs=[
            pl.BlockSpec((_BM, D), lambda i: (i, 0)),
            pl.BlockSpec((_BM, D), lambda i: (i, 0)),
            pl.BlockSpec((1, D), lambda i: (0, 0)),
            pl.BlockSpec((D, D), lambda i: (0, 0)),
        ],
        out_specs=pl.BlockSpec((_BM, D), lambda i: (i, 0)),
        out_shape=jax.ShapeDtypeStruct((N, D), jnp.float32),
    )(a0, a1, b, w)


def _final_body(a0_ref, a1_ref, b_ref, w_ref, bo_ref, o_ref):
    h = jnp.maximum(a0_ref[...] + a1_ref[...] + b_ref[...], 0.0)
    z = jnp.dot(h, w_ref[...], preferred_element_type=jnp.float32)
    o_ref[...] = jax.nn.sigmoid(z + bo_ref[...])


def _tc_final(a0, a1, b, w, bo):
    return pl.pallas_call(
        _final_body,
        grid=(N // _BM,),
        in_specs=[
            pl.BlockSpec((_BM, D), lambda i: (i, 0)),
            pl.BlockSpec((_BM, D), lambda i: (i, 0)),
            pl.BlockSpec((1, D), lambda i: (0, 0)),
            pl.BlockSpec((D, C), lambda i: (0, 0)),
            pl.BlockSpec((1, C), lambda i: (0, 0)),
        ],
        out_specs=pl.BlockSpec((_BM, C), lambda i: (i, 0)),
        out_shape=jax.ShapeDtypeStruct((N, C), jnp.float32),
    )(a0, a1, b, w, bo)


def kernel(F_, X, edge_index, Wf1, bf1, Wh1, bh1, Wf2, bf2, Wh2, bh2,
           Wout, bout):
    src = edge_index[0]
    dst = edge_index[1]
    bh1_2d = bh1.reshape(1, D)
    bh2_2d = bh2.reshape(1, D)
    bout_2d = bout.reshape(1, C)

    xw1 = _tc_mm(X, Wh1)
    acc1 = _sc_scatter(xw1, src, dst)
    xw2 = _tc_relu_mm(acc1[0], acc1[1], bh1_2d, Wh2)
    acc2 = _sc_scatter(xw2, src, dst)
    return _tc_final(acc2[0], acc2[1], bh2_2d, Wout, bout_2d)

# --- scband reference (transcript-rebuilt; emitter-appended) ---
"""Pipeline reference for scband-cnn-12197707120645 (READ-ONLY COPY).

The authoritative reference and input builder live on the scoring server;
editing this copy changes nothing except your own understanding.
"""

import jax, jax.numpy as jnp
import numpy as np

N = 10000
E = 320000
D = 128
C = 64


def _linear_init(key, fan_in, shape):
    s = 1.0 / np.sqrt(fan_in)
    return jax.random.uniform(key, shape, jnp.float32, minval=-s, maxval=s)


def setup_inputs(seed: int = 0) -> dict:
    key = jax.random.key(seed)
    ks = jax.random.split(key, 16)
    inp = {}
    inp["F_"] = jax.random.normal(ks[0], (N, D), jnp.float32)
    inp["X"] = jax.random.normal(ks[1], (N, D), jnp.float32)
    inp["edge_index"] = jax.random.randint(ks[2], (2, E), 0, N, dtype=jnp.int32)
    # ControGraphConvLayer 1 (in_feats=128 -> h_feats[0]=128): one linear for forc, one for h
    inp["Wf1"] = _linear_init(ks[3], D, (D, D)); inp["bf1"] = _linear_init(ks[4], D, (D,))
    inp["Wh1"] = _linear_init(ks[5], D, (D, D)); inp["bh1"] = _linear_init(ks[6], D, (D,))
    # ControGraphConvLayer 2 (h_feats[0]=128 -> h_feats[1]=128)
    inp["Wf2"] = _linear_init(ks[7], D, (D, D)); inp["bf2"] = _linear_init(ks[8], D, (D,))
    inp["Wh2"] = _linear_init(ks[9], D, (D, D)); inp["bh2"] = _linear_init(ks[10], D, (D,))
    # Output Linear(h_feats[-1]=128 -> num_classes=64)
    inp["Wout"] = _linear_init(ks[11], D, (D, C)); inp["bout"] = _linear_init(ks[12], D, (C,))
    return inp


def _gconv(a, src, dst, W, b, n):
    # sparse graph propagation (p2p adjacency given as edge list): agg = A @ a, then linear
    agg = jax.ops.segment_sum(jnp.take(a, src, axis=0), dst, num_segments=n)
    return agg @ W + b


def reference(F_, X, edge_index, Wf1, bf1, Wh1, bh1, Wf2, bf2, Wh2, bh2, Wout, bout):
    src = edge_index[0]
    dst = edge_index[1]
    n = X.shape[0]
    forc, h = F_, X
    # layer 1: ControGraphConvLayer + relu (dropout p=0.0 -> identity)
    forc1 = jax.nn.relu(_gconv(forc, src, dst, Wf1, bf1, n))
    h1 = jax.nn.relu(_gconv(h, src, dst, Wh1, bh1, n))
    # layer 2
    forc2 = jax.nn.relu(_gconv(forc1, src, dst, Wf2, bf2, n))
    h2 = jax.nn.relu(_gconv(h1, src, dst, Wh2, bh2, n))
    # final linear + sigmoid
    out = jax.nn.sigmoid(h2 @ Wout + bout)
    return out

if __name__ == "__main__":
    import jax
    _d = setup_inputs()
    print(jax.jit(kernel)(*tuple(_d.values())))

</pallas_src>

<mosaic_0001>
#map = affine_map<(d0, d1) -> (0, 0)>
#map1 = affine_map<(d0, d1) -> (0)>
#map2 = affine_map<(d0, d1) -> (0, 0, 0)>
module attributes {stable_mosaic.version = 14 : i64} {
  func.func @_sc_scatter_body(%arg0: i32, %arg1: i32, %arg2: memref<10000x128xf32, #tpu.memory_space<hbm>>, %arg3: memref<320000xi32, #tpu.memory_space<hbm>>, %arg4: memref<320000xi32, #tpu.memory_space<hbm>>, %arg5: memref<2x10000x128xf32, #tpu.memory_space<hbm>>, %arg6: memref<80xi32, #tpu.memory_space<vmem>>, %arg7: memref<80xi32, #tpu.memory_space<vmem>>, %arg8: memref<80x128xf32, #tpu.memory_space<vmem>>, %arg9: memref<16x128xf32, #tpu.memory_space<vmem>>, %arg10: memref<10000x128xf32, #tpu.memory_space<vmem_shared>>, %arg11: memref<!tpu.dma_semaphore, #tpu.memory_space<semaphore_mem>>) attributes {dimension_semantics = [#tpu.dimension_semantics<core_parallel>, #tpu.dimension_semantics<subcore_parallel>], iteration_bounds = array<i64: 2, 16>, scalar_prefetch = 0 : i64, scratch_operands = 6 : i64, tpu.core_type = #tpu.core_type<sc_vector_subcore>, window_params = [{transform_indices = #map}, {transform_indices = #map1}, {transform_indices = #map1}, {transform_indices = #map2}]} {
    %mul3A = arith.constant 16 : i32
    %mul3A_0 = arith.muli %arg0, %mul3A : i32
    %add3A = arith.addi %mul3A_0, %arg1 : i32
    %broadcast_in_dim3A = arith.constant 0.000000e+00 : f32
    %broadcast_in_dim3A_1 = vector.broadcast %broadcast_in_dim3A : f32 to vector<16xf32>
    %scan3A = arith.constant 0 : i32
    %scan3A_2 = arith.constant 0 : i32
    %scan3A_3 = arith.constant 128 : i32
    %scan3A_4 = arith.addi %scan3A_2, %scan3A_3 : i32
    %scan3A_5 = arith.constant 1 : i32
    scf.for %scan3A_33 = %scan3A_2 to %scan3A_4 step %scan3A_5  : i32 {
      %jit3A = arith.constant 8 : i32
      %div3A = arith.divsi %scan3A_33, %jit3A : i32
      %sign3A = arith.constant 0 : i32
      %sign3A_34 = arith.cmpi sgt, %scan3A_33, %sign3A : i32
      %sign3A_35 = arith.extui %sign3A_34 : i1 to i32
      %sign3A_36 = arith.constant 0 : i32
      %sign3A_37 = arith.cmpi slt, %scan3A_33, %sign3A_36 : i32
      %sign3A_38 = arith.extui %sign3A_37 : i1 to i32
      %sign3A_39 = arith.subi %sign3A_35, %sign3A_38 : i32
      %sign3A_40 = arith.constant 0 : i32
      %sign3A_41 = arith.cmpi sgt, %jit3A, %sign3A_40 : i32
      %sign3A_42 = arith.extui %sign3A_41 : i1 to i32
      %sign3A_43 = arith.constant 0 : i32
      %sign3A_44 = arith.cmpi slt, %jit3A, %sign3A_43 : i32
      %sign3A_45 = arith.extui %sign3A_44 : i1 to i32
      %sign3A_46 = arith.subi %sign3A_42, %sign3A_45 : i32
      %ne3A = arith.cmpi ne, %sign3A_39, %sign3A_46 : i32
      %rem3A = arith.remsi %scan3A_33, %jit3A : i32
      %ne3A_47 = arith.constant 0 : i32
      %ne3A_48 = arith.cmpi ne, %rem3A, %ne3A_47 : i32
      %and3A = arith.andi %ne3A, %ne3A_48 : i1
      %sub3A = arith.constant 1 : i32
      %sub3A_49 = arith.subi %div3A, %sub3A : i32
      %select_n3A = arith.select %and3A, %sub3A_49, %div3A : i32
      %jit3A_50 = arith.constant 8 : i32
      %eq3A_51 = arith.constant 0 : i32
      %eq3A_52 = arith.cmpi eq, %jit3A_50, %eq3A_51 : i32
      %jit3A_53 = arith.constant 1 : i32
      %select_n3A_54 = arith.select %eq3A_52, %jit3A_53, %jit3A_50 : i32
      %rem3A_55 = arith.remsi %scan3A_33, %select_n3A_54 : i32
      %ne3A_56 = arith.constant 0 : i32
      %ne3A_57 = arith.cmpi ne, %rem3A_55, %ne3A_56 : i32
      %lt3A = arith.constant 0 : i32
      %lt3A_58 = arith.cmpi slt, %rem3A_55, %lt3A : i32
      %lt3A_59 = arith.constant 0 : i32
      %lt3A_60 = arith.cmpi slt, %select_n3A_54, %lt3A_59 : i32
      %ne3A_61 = arith.xori %lt3A_58, %lt3A_60 : i1
      %and3A_62 = arith.andi %ne3A_61, %ne3A_57 : i1
      %add3A_63 = arith.addi %rem3A_55, %select_n3A_54 : i32
      %select_n3A_64 = arith.select %and3A_62, %add3A_63, %rem3A_55 : i32
      %mul3A_65 = arith.constant 16 : i32
      %mul3A_66 = arith.muli %select_n3A_64, %mul3A_65 : i32
      %swap3A = arith.index_cast %select_n3A : i32 to index
      %swap3A_67 = arith.index_cast %mul3A_66 : i32 to index
      %swap3A_68 = tpu.vector_load %arg9[%swap3A, %swap3A_67] {strides = array<i32>} : memref<16x128xf32, #tpu.memory_space<vmem>>, vector<1x16xf32>,
      %swap3A_69 = vector.shape_cast %swap3A_68 : vector<1x16xf32> to vector<16xf32>
      %swap3A_70 = vector.shape_cast %broadcast_in_dim3A_1 : vector<16xf32> to vector<1x16xf32>
      tpu.vector_store %arg9[%swap3A, %swap3A_67], %swap3A_70 {strides = array<i32>} : memref<16x128xf32, #tpu.memory_space<vmem>>, vector<1x16xf32>,
    }
    %scan3A_6 = arith.constant 128 : i32
    %scan3A_7 = arith.constant 0 : i32
    %scan3A_8 = arith.constant 0 : i32
    %scan3A_9 = arith.constant 39 : i32
    %scan3A_10 = arith.addi %scan3A_8, %scan3A_9 : i32
    %scan3A_11 = arith.constant 1 : i32
    scf.for %scan3A_33 = %scan3A_8 to %scan3A_10 step %scan3A_11  : i32 {
      %mul3A_34 = arith.constant 624 : i32
      %mul3A_35 = arith.muli %arg1, %mul3A_34 : i32
      %mul3A_36 = arith.constant 16 : i32
      %mul3A_37 = arith.muli %scan3A_33, %mul3A_36 : i32
      %add3A_38 = arith.addi %mul3A_35, %mul3A_37 : i32
      "tpu.region"() ({
        %run_scoped3A = tpu.sem_alloc : memref<!tpu.dma_semaphore, #tpu.memory_space<semaphore_mem>>
        %dma_start3A = arith.constant 0 : i32
        %dma_start3A_39 = tpu.memref_slice %arg10[%add3A_38, %dma_start3A] : memref<10000x128xf32, #tpu.memory_space<vmem_shared>> -> memref<16x128xf32, #tpu.memory_space<vmem_shared>>
        %dma_start3A_40 = arith.constant 0 : i32
        %dma_start3A_41 = tpu.memref_slice %arg10[%add3A_38, %dma_start3A_40] : memref<10000x128xf32, #tpu.memory_space<vmem_shared>> -> memref<16x128xf32, #tpu.memory_space<vmem_shared>>
        tpu.enqueue_dma source(%arg9 : memref<16x128xf32, #tpu.memory_space<vmem>>) target(%dma_start3A_41 : memref<16x128xf32, #tpu.memory_space<vmem_shared>>) target_semaphore(%run_scoped3A : memref<!tpu.dma_semaphore, #tpu.memory_space<semaphore_mem>>)
        %dma_wait3A = arith.constant 0 : i32
        %dma_wait3A_42 = tpu.memref_slice %arg10[%add3A_38, %dma_wait3A] : memref<10000x128xf32, #tpu.memory_space<vmem_shared>> -> memref<16x128xf32, #tpu.memory_space<vmem_shared>>
        %dma_wait3A_43 = arith.constant 0 : i32
        %dma_wait3A_44 = tpu.memref_slice %arg10[%add3A_38, %dma_wait3A_43] : memref<10000x128xf32, #tpu.memory_space<vmem_shared>> -> memref<16x128xf32, #tpu.memory_space<vmem_shared>>
        tpu.wait_dma2 semaphore(%run_scoped3A : memref<!tpu.dma_semaphore, #tpu.memory_space<semaphore_mem>>) src(%arg9 : memref<16x128xf32, #tpu.memory_space<vmem>>) dst(%dma_wait3A_44 : memref<16x128xf32, #tpu.memory_space<vmem_shared>>)
        tpu.yield
      }) : () -> ()
    }
    %scan3A_12 = arith.constant 39 : i32
    %eq3A = arith.constant 15 : i32
    %eq3A_13 = arith.cmpi eq, %arg1, %eq3A : i32
    %convert_element_type3A = arith.extui %eq3A_13 : i1 to i32
    %cond3A = arith.constant 0 : i32
    %cond3A_14 = arith.cmpi ne, %convert_element_type3A, %cond3A : i32
    scf.if %cond3A_14 {
      "tpu.region"() ({
        %run_scoped3A = tpu.sem_alloc : memref<!tpu.dma_semaphore, #tpu.memory_space<semaphore_mem>>
        %dma_start3A = arith.constant 9984 : i32
        %dma_start3A_33 = arith.constant 0 : i32
        %dma_start3A_34 = tpu.memref_slice %arg10[%dma_start3A, %dma_start3A_33] : memref<10000x128xf32, #tpu.memory_space<vmem_shared>> -> memref<16x128xf32, #tpu.memory_space<vmem_shared>>
        %dma_start3A_35 = arith.constant 9984 : i32
        %dma_start3A_36 = arith.constant 0 : i32
        %dma_start3A_37 = tpu.memref_slice %arg10[%dma_start3A_35, %dma_start3A_36] : memref<10000x128xf32, #tpu.memory_space<vmem_shared>> -> memref<16x128xf32, #tpu.memory_space<vmem_shared>>
        tpu.enqueue_dma source(%arg9 : memref<16x128xf32, #tpu.memory_space<vmem>>) target(%dma_start3A_37 : memref<16x128xf32, #tpu.memory_space<vmem_shared>>) target_semaphore(%run_scoped3A : memref<!tpu.dma_semaphore, #tpu.memory_space<semaphore_mem>>)
        %dma_wait3A = arith.constant 9984 : i32
        %dma_wait3A_38 = arith.constant 0 : i32
        %dma_wait3A_39 = tpu.memref_slice %arg10[%dma_wait3A, %dma_wait3A_38] : memref<10000x128xf32, #tpu.memory_space<vmem_shared>> -> memref<16x128xf32, #tpu.memory_space<vmem_shared>>
        %dma_wait3A_40 = arith.constant 9984 : i32
        %dma_wait3A_41 = arith.constant 0 : i32
        %dma_wait3A_42 = tpu.memref_slice %arg10[%dma_wait3A_40, %dma_wait3A_41] : memref<10000x128xf32, #tpu.memory_space<vmem_shared>> -> memref<16x128xf32, #tpu.memory_space<vmem_shared>>
        tpu.wait_dma2 semaphore(%run_scoped3A : memref<!tpu.dma_semaphore, #tpu.memory_space<semaphore_mem>>) src(%arg9 : memref<16x128xf32, #tpu.memory_space<vmem>>) dst(%dma_wait3A_42 : memref<16x128xf32, #tpu.memory_space<vmem_shared>>)
        tpu.yield
      }) : () -> ()
    } else {
    }
    %barrier3A = arith.constant 0 : index
    tpu.barrier barrier_id(%barrier3A)
    %mul3A_15 = arith.constant 10000 : i32
    %mul3A_16 = arith.muli %add3A, %mul3A_15 : i32
    %scan3A_17 = arith.constant 0 : i32
    %scan3A_18 = arith.constant 0 : i32
    %scan3A_19 = arith.constant 125 : i32
    %scan3A_20 = arith.addi %scan3A_18, %scan3A_19 : i32
    %scan3A_21 = arith.constant 1 : i32
    scf.for %scan3A_33 = %scan3A_18 to %scan3A_20 step %scan3A_21  : i32 {
      %mul3A_34 = arith.constant 80 : i32
      %mul3A_35 = arith.muli %scan3A_33, %mul3A_34 : i32
      %add3A_36 = arith.addi %mul3A_16, %mul3A_35 : i32
      "tpu.region"() ({
        %run_scoped3A = tpu.sem_alloc : memref<!tpu.dma_semaphore, #tpu.memory_space<semaphore_mem>>
        %dma_start3A_41 = tpu.memref_slice %arg3[%add3A_36] : memref<320000xi32, #tpu.memory_space<hbm>> -> memref<80xi32, #tpu.memory_space<hbm>>
        %dma_start3A_42 = tpu.memref_slice %arg3[%add3A_36] : memref<320000xi32, #tpu.memory_space<hbm>> -> memref<80xi32, #tpu.memory_space<hbm>>
        tpu.enqueue_dma source(%dma_start3A_42 : memref<80xi32, #tpu.memory_space<hbm>>) target(%arg6 : memref<80xi32, #tpu.memory_space<vmem>>) target_semaphore(%run_scoped3A : memref<!tpu.dma_semaphore, #tpu.memory_space<semaphore_mem>>)
        %dma_wait3A_43 = tpu.memref_slice %arg3[%add3A_36] : memref<320000xi32, #tpu.memory_space<hbm>> -> memref<80xi32, #tpu.memory_space<hbm>>
        %dma_wait3A_44 = tpu.memref_slice %arg3[%add3A_36] : memref<320000xi32, #tpu.memory_space<hbm>> -> memref<80xi32, #tpu.memory_space<hbm>>
        tpu.wait_dma2 semaphore(%run_scoped3A : memref<!tpu.dma_semaphore, #tpu.memory_space<semaphore_mem>>) src(%dma_wait3A_44 : memref<80xi32, #tpu.memory_space<hbm>>) dst(%arg6 : memref<80xi32, #tpu.memory_space<vmem>>)
        tpu.yield
      }) : () -> ()
      "tpu.region"() ({
        %run_scoped3A = tpu.sem_alloc : memref<!tpu.dma_semaphore, #tpu.memory_space<semaphore_mem>>
        %dma_start3A_41 = tpu.memref_slice %arg4[%add3A_36] : memref<320000xi32, #tpu.memory_space<hbm>> -> memref<80xi32, #tpu.memory_space<hbm>>
        %dma_start3A_42 = tpu.memref_slice %arg4[%add3A_36] : memref<320000xi32, #tpu.memory_space<hbm>> -> memref<80xi32, #tpu.memory_space<hbm>>
        tpu.enqueue_dma source(%dma_start3A_42 : memref<80xi32, #tpu.memory_space<hbm>>) target(%arg7 : memref<80xi32, #tpu.memory_space<vmem>>) target_semaphore(%run_scoped3A : memref<!tpu.dma_semaphore, #tpu.memory_space<semaphore_mem>>)
        %dma_wait3A_43 = tpu.memref_slice %arg4[%add3A_36] : memref<320000xi32, #tpu.memory_space<hbm>> -> memref<80xi32, #tpu.memory_space<hbm>>
        %dma_wait3A_44 = tpu.memref_slice %arg4[%add3A_36] : memref<320000xi32, #tpu.memory_space<hbm>> -> memref<80xi32, #tpu.memory_space<hbm>>
        tpu.wait_dma2 semaphore(%run_scoped3A : memref<!tpu.dma_semaphore, #tpu.memory_space<semaphore_mem>>) src(%dma_wait3A_44 : memref<80xi32, #tpu.memory_space<hbm>>) dst(%arg7 : memref<80xi32, #tpu.memory_space<vmem>>)
        tpu.yield
      }) : () -> ()
      %dma_start3A = arith.constant 0 : i32
      %dma_start3A_37 = arith.constant 0 : i32
      %dma_start3A_38 = tpu.memref_slice %arg2[%dma_start3A, %dma_start3A_37] : memref<10000x128xf32, #tpu.memory_space<hbm>> -> memref<10000x128xf32, #tpu.memory_space<hbm>>
      tpu.enqueue_indirect_dma source(%dma_start3A_38 : memref<10000x128xf32, #tpu.memory_space<hbm>>) target(%arg8 : memref<80x128xf32, #tpu.memory_space<vmem>>) offsets(%arg6 : memref<80xi32, #tpu.memory_space<vmem>>) semaphore(%arg11 : memref<!tpu.dma_semaphore, #tpu.memory_space<semaphore_mem>>)
      %dma_wait3A = arith.constant 0 : i32
      %dma_wait3A_39 = arith.constant 0 : i32
      %dma_wait3A_40 = tpu.memref_slice %arg2[%dma_wait3A, %dma_wait3A_39] : memref<10000x128xf32, #tpu.memory_space<hbm>> -> memref<10000x128xf32, #tpu.memory_space<hbm>>
      tpu.wait_indirect_dma semaphore(%arg11 : memref<!tpu.dma_semaphore, #tpu.memory_space<semaphore_mem>>) src(%dma_wait3A_40 : memref<10000x128xf32, #tpu.memory_space<hbm>>) dst(%arg8 : memref<80x128xf32, #tpu.memory_space<vmem>>)
      "tpu.region"() ({
        %run_scoped3A = tpu.sem_alloc : memref<!tpu.dma_semaphore, #tpu.memory_space<semaphore_mem>>
        %dma_start3A_41 = arith.constant 0 : i32
        %dma_start3A_42 = arith.constant 0 : i32
        %dma_start3A_43 = tpu.memref_slice %arg10[%dma_start3A_41, %dma_start3A_42] : memref<10000x128xf32, #tpu.memory_space<vmem_shared>> -> memref<10000x128xf32, #tpu.memory_space<vmem_shared>>
        tpu.enqueue_indirect_dma source(%arg8 : memref<80x128xf32, #tpu.memory_space<vmem>>) target(%dma_start3A_43 : memref<10000x128xf32, #tpu.memory_space<vmem_shared>>) offsets(%arg7 : memref<80xi32, #tpu.memory_space<vmem>>) semaphore(%run_scoped3A : memref<!tpu.dma_semaphore, #tpu.memory_space<semaphore_mem>>) {add = true}
        %dma_wait3A_44 = arith.constant 0 : i32
        %dma_wait3A_45 = arith.constant 0 : i32
        %dma_wait3A_46 = tpu.memref_slice %arg10[%dma_wait3A_44, %dma_wait3A_45] : memref<10000x128xf32, #tpu.memory_space<vmem_shared>> -> memref<10000x128xf32, #tpu.memory_space<vmem_shared>>
        tpu.wait_indirect_dma semaphore(%run_scoped3A : memref<!tpu.dma_semaphore, #tpu.memory_space<semaphore_mem>>) src(%arg8 : memref<80x128xf32, #tpu.memory_space<vmem>>) dst(%dma_wait3A_46 : memref<10000x128xf32, #tpu.memory_space<vmem_shared>>)
        tpu.yield
      }) : () -> ()
    }
    %scan3A_22 = arith.constant 125 : i32
    %barrier3A_23 = arith.constant 0 : index
    tpu.barrier barrier_id(%barrier3A_23)
    %mul3A_24 = arith.constant 624 : i32
    %mul3A_25 = arith.muli %arg1, %mul3A_24 : i32
    %mul3A_26 = arith.constant 624 : i32
    %mul3A_27 = arith.muli %arg1, %mul3A_26 : i32
    "tpu.region"() ({
      %run_scoped3A = tpu.sem_alloc : memref<!tpu.dma_semaphore, #tpu.memory_space<semaphore_mem>>
      %dma_start3A = arith.constant 0 : i32
      %dma_start3A_33 = tpu.memref_slice %arg5[%arg0, %mul3A_27, %dma_start3A] : memref<2x10000x128xf32, #tpu.memory_space<hbm>> -> memref<1x624x128xf32, #tpu.memory_space<hbm>>
      %dma_start3A_34 = tpu.memref_squeeze %dma_start3A_33 : memref<1x624x128xf32, #tpu.memory_space<hbm>> -> memref<624x128xf32, #tpu.memory_space<hbm>>
      %dma_start3A_35 = arith.constant 0 : i32
      %dma_start3A_36 = tpu.memref_slice %arg10[%mul3A_25, %dma_start3A_35] : memref<10000x128xf32, #tpu.memory_space<vmem_shared>> -> memref<624x128xf32, #tpu.memory_space<vmem_shared>>
      tpu.enqueue_dma source(%dma_start3A_36 : memref<624x128xf32, #tpu.memory_space<vmem_shared>>) target(%dma_start3A_34 : memref<624x128xf32, #tpu.memory_space<hbm>>) target_semaphore(%run_scoped3A : memref<!tpu.dma_semaphore, #tpu.memory_space<semaphore_mem>>)
      %dma_wait3A = arith.constant 0 : i32
      %dma_wait3A_37 = tpu.memref_slice %arg5[%arg0, %mul3A_27, %dma_wait3A] : memref<2x10000x128xf32, #tpu.memory_space<hbm>> -> memref<1x624x128xf32, #tpu.memory_space<hbm>>
      %dma_wait3A_38 = tpu.memref_squeeze %dma_wait3A_37 : memref<1x624x128xf32, #tpu.memory_space<hbm>> -> memref<624x128xf32, #tpu.memory_space<hbm>>
      %dma_wait3A_39 = arith.constant 0 : i32
      %dma_wait3A_40 = tpu.memref_slice %arg10[%mul3A_25, %dma_wait3A_39] : memref<10000x128xf32, #tpu.memory_space<vmem_shared>> -> memref<624x128xf32, #tpu.memory_space<vmem_shared>>
      tpu.wait_dma2 semaphore(%run_scoped3A : memref<!tpu.dma_semaphore, #tpu.memory_space<semaphore_mem>>) src(%dma_wait3A_40 : memref<624x128xf32, #tpu.memory_space<vmem_shared>>) dst(%dma_wait3A_38 : memref<624x128xf32, #tpu.memory_space<hbm>>)
      tpu.yield
    }) : () -> ()
    %eq3A_28 = arith.constant 15 : i32
    %eq3A_29 = arith.cmpi eq, %arg1, %eq3A_28 : i32
    %convert_element_type3A_30 = arith.extui %eq3A_29 : i1 to i32
    %cond3A_31 = arith.constant 0 : i32
    %cond3A_32 = arith.cmpi ne, %convert_element_type3A_30, %cond3A_31 : i32
    scf.if %cond3A_32 {
      "tpu.region"() ({
        %run_scoped3A = tpu.sem_alloc : memref<!tpu.dma_semaphore, #tpu.memory_space<semaphore_mem>>
        %dma_start3A = arith.constant 9984 : i32
        %dma_start3A_33 = arith.constant 0 : i32
        %dma_start3A_34 = tpu.memref_slice %arg5[%arg0, %dma_start3A, %dma_start3A_33] : memref<2x10000x128xf32, #tpu.memory_space<hbm>> -> memref<1x16x128xf32, #tpu.memory_space<hbm>>
        %dma_start3A_35 = tpu.memref_squeeze %dma_start3A_34 : memref<1x16x128xf32, #tpu.memory_space<hbm>> -> memref<16x128xf32, #tpu.memory_space<hbm>>
        %dma_start3A_36 = arith.constant 9984 : i32
        %dma_start3A_37 = arith.constant 0 : i32
        %dma_start3A_38 = tpu.memref_slice %arg10[%dma_start3A_36, %dma_start3A_37] : memref<10000x128xf32, #tpu.memory_space<vmem_shared>> -> memref<16x128xf32, #tpu.memory_space<vmem_shared>>
        tpu.enqueue_dma source(%dma_start3A_38 : memref<16x128xf32, #tpu.memory_space<vmem_shared>>) target(%dma_start3A_35 : memref<16x128xf32, #tpu.memory_space<hbm>>) target_semaphore(%run_scoped3A : memref<!tpu.dma_semaphore, #tpu.memory_space<semaphore_mem>>)
        %dma_wait3A = arith.constant 9984 : i32
        %dma_wait3A_39 = arith.constant 0 : i32
        %dma_wait3A_40 = tpu.memref_slice %arg5[%arg0, %dma_wait3A, %dma_wait3A_39] : memref<2x10000x128xf32, #tpu.memory_space<hbm>> -> memref<1x16x128xf32, #tpu.memory_space<hbm>>
        %dma_wait3A_41 = tpu.memref_squeeze %dma_wait3A_40 : memref<1x16x128xf32, #tpu.memory_space<hbm>> -> memref<16x128xf32, #tpu.memory_space<hbm>>
        %dma_wait3A_42 = arith.constant 9984 : i32
        %dma_wait3A_43 = arith.constant 0 : i32
        %dma_wait3A_44 = tpu.memref_slice %arg10[%dma_wait3A_42, %dma_wait3A_43] : memref<10000x128xf32, #tpu.memory_space<vmem_shared>> -> memref<16x128xf32, #tpu.memory_space<vmem_shared>>
        tpu.wait_dma2 semaphore(%run_scoped3A : memref<!tpu.dma_semaphore, #tpu.memory_space<semaphore_mem>>) src(%dma_wait3A_44 : memref<16x128xf32, #tpu.memory_space<vmem_shared>>) dst(%dma_wait3A_41 : memref<16x128xf32, #tpu.memory_space<hbm>>)
        tpu.yield
      }) : () -> ()
    } else {
    }
    return
  }
}

#map = affine_map<(d0, d1) -> (0, 0)>
#map1 = affine_map<(d0, d1) -> (0)>
#map2 = affine_map<(d0, d1) -> (0, 0, 0)>
module attributes {stable_mosaic.version = 14 : i64} {
  func.func @_sc_scatter_body(%arg0: i32, %arg1: i32, %arg2: memref<10000x128xf32, #tpu.memory_space<hbm>>, %arg3: memref<320000xi32, #tpu.memory_space<hbm>>, %arg4: memref<320000xi32, #tpu.memory_space<hbm>>, %arg5: memref<2x10000x128xf32, #tpu.memory_space<hbm>>, %arg6: memref<80xi32, #tpu.memory_space<vmem>>, %arg7: memref<80xi32, #tpu.memory_space<vmem>>, %arg8: memref<80x128xf32, #tpu.memory_space<vmem>>, %arg9: memref<16x128xf32, #tpu.memory_space<vmem>>, %arg10: memref<10000x128xf32, #tpu.memory_space<vmem_shared>>, %arg11: memref<!tpu.dma_semaphore, #tpu.memory_space<semaphore_mem>>) attributes {dimension_semantics = [#tpu.dimension_semantics<core_parallel>, #tpu.dimension_semantics<subcore_parallel>], iteration_bounds = array<i64: 2, 16>, scalar_prefetch = 0 : i64, scratch_operands = 6 : i64, tpu.core_type = #tpu.core_type<sc_vector_subcore>, window_params = [{transform_indices = #map}, {transform_indices = #map1}, {transform_indices = #map1}, {transform_indices = #map2}]} {
    %mul3A = arith.constant 16 : i32
    %mul3A_0 = arith.muli %arg0, %mul3A : i32
    %add3A = arith.addi %mul3A_0, %arg1 : i32
    %broadcast_in_dim3A = arith.constant 0.000000e+00 : f32
    %broadcast_in_dim3A_1 = vector.broadcast %broadcast_in_dim3A : f32 to vector<16xf32>
    %scan3A = arith.constant 0 : i32
    %scan3A_2 = arith.constant 0 : i32
    %scan3A_3 = arith.constant 128 : i32
    %scan3A_4 = arith.addi %scan3A_2, %scan3A_3 : i32
    %scan3A_5 = arith.constant 1 : i32
    scf.for %scan3A_33 = %scan3A_2 to %scan3A_4 step %scan3A_5  : i32 {
      %jit3A = arith.constant 8 : i32
      %div3A = arith.divsi %scan3A_33, %jit3A : i32
      %sign3A = arith.constant 0 : i32
      %sign3A_34 = arith.cmpi sgt, %scan3A_33, %sign3A : i32
      %sign3A_35 = arith.extui %sign3A_34 : i1 to i32
      %sign3A_36 = arith.constant 0 : i32
      %sign3A_37 = arith.cmpi slt, %scan3A_33, %sign3A_36 : i32
      %sign3A_38 = arith.extui %sign3A_37 : i1 to i32
      %sign3A_39 = arith.subi %sign3A_35, %sign3A_38 : i32
      %sign3A_40 = arith.constant 0 : i32
      %sign3A_41 = arith.cmpi sgt, %jit3A, %sign3A_40 : i32
      %sign3A_42 = arith.extui %sign3A_41 : i1 to i32
      %sign3A_43 = arith.constant 0 : i32
      %sign3A_44 = arith.cmpi slt, %jit3A, %sign3A_43 : i32
      %sign3A_45 = arith.extui %sign3A_44 : i1 to i32
      %sign3A_46 = arith.subi %sign3A_42, %sign3A_45 : i32
      %ne3A = arith.cmpi ne, %sign3A_39, %sign3A_46 : i32
      %rem3A = arith.remsi %scan3A_33, %jit3A : i32
      %ne3A_47 = arith.constant 0 : i32
      %ne3A_48 = arith.cmpi ne, %rem3A, %ne3A_47 : i32
      %and3A = arith.andi %ne3A, %ne3A_48 : i1
      %sub3A = arith.constant 1 : i32
      %sub3A_49 = arith.subi %div3A, %sub3A : i32
      %select_n3A = arith.select %and3A, %sub3A_49, %div3A : i32
      %jit3A_50 = arith.constant 8 : i32
      %eq3A_51 = arith.constant 0 : i32
      %eq3A_52 = arith.cmpi eq, %jit3A_50, %eq3A_51 : i32
      %jit3A_53 = arith.constant 1 : i32
      %select_n3A_54 = arith.select %eq3A_52, %jit3A_53, %jit3A_50 : i32
      %rem3A_55 = arith.remsi %scan3A_33, %select_n3A_54 : i32
      %ne3A_56 = arith.constant 0 : i32
      %ne3A_57 = arith.cmpi ne, %rem3A_55, %ne3A_56 : i32
      %lt3A = arith.constant 0 : i32
      %lt3A_58 = arith.cmpi slt, %rem3A_55, %lt3A : i32
      %lt3A_59 = arith.constant 0 : i32
      %lt3A_60 = arith.cmpi slt, %select_n3A_54, %lt3A_59 : i32
      %ne3A_61 = arith.xori %lt3A_58, %lt3A_60 : i1
      %and3A_62 = arith.andi %ne3A_61, %ne3A_57 : i1
      %add3A_63 = arith.addi %rem3A_55, %select_n3A_54 : i32
      %select_n3A_64 = arith.select %and3A_62, %add3A_63, %rem3A_55 : i32
      %mul3A_65 = arith.constant 16 : i32
      %mul3A_66 = arith.muli %select_n3A_64, %mul3A_65 : i32
      %swap3A = arith.index_cast %select_n3A : i32 to index
      %swap3A_67 = arith.index_cast %mul3A_66 : i32 to index
      %swap3A_68 = tpu.vector_load %arg9[%swap3A, %swap3A_67] {strides = array<i32>} : memref<16x128xf32, #tpu.memory_space<vmem>>, vector<1x16xf32>,
      %swap3A_69 = vector.shape_cast %swap3A_68 : vector<1x16xf32> to vector<16xf32>
      %swap3A_70 = vector.shape_cast %broadcast_in_dim3A_1 : vector<16xf32> to vector<1x16xf32>
      tpu.vector_store %arg9[%swap3A, %swap3A_67], %swap3A_70 {strides = array<i32>} : memref<16x128xf32, #tpu.memory_space<vmem>>, vector<1x16xf32>,
    }
    %scan3A_6 = arith.constant 128 : i32
    %scan3A_7 = arith.constant 0 : i32
    %scan3A_8 = arith.constant 0 : i32
    %scan3A_9 = arith.constant 39 : i32
    %scan3A_10 = arith.addi %scan3A_8, %scan3A_9 : i32
    %scan3A_11 = arith.constant 1 : i32
    scf.for %scan3A_33 = %scan3A_8 to %scan3A_10 step %scan3A_11  : i32 {
      %mul3A_34 = arith.constant 624 : i32
      %mul3A_35 = arith.muli %arg1, %mul3A_34 : i32
      %mul3A_36 = arith.constant 16 : i32
      %mul3A_37 = arith.muli %scan3A_33, %mul3A_36 : i32
      %add3A_38 = arith.addi %mul3A_35, %mul3A_37 : i32
      "tpu.region"() ({
        %run_scoped3A = tpu.sem_alloc : memref<!tpu.dma_semaphore, #tpu.memory_space<semaphore_mem>>
        %dma_start3A = arith.constant 0 : i32
        %dma_start3A_39 = tpu.memref_slice %arg10[%add3A_38, %dma_start3A] : memref<10000x128xf32, #tpu.memory_space<vmem_shared>> -> memref<16x128xf32, #tpu.memory_space<vmem_shared>>
        %dma_start3A_40 = arith.constant 0 : i32
        %dma_start3A_41 = tpu.memref_slice %arg10[%add3A_38, %dma_start3A_40] : memref<10000x128xf32, #tpu.memory_space<vmem_shared>> -> memref<16x128xf32, #tpu.memory_space<vmem_shared>>
        tpu.enqueue_dma source(%arg9 : memref<16x128xf32, #tpu.memory_space<vmem>>) target(%dma_start3A_41 : memref<16x128xf32, #tpu.memory_space<vmem_shared>>) target_semaphore(%run_scoped3A : memref<!tpu.dma_semaphore, #tpu.memory_space<semaphore_mem>>)
        %dma_wait3A = arith.constant 0 : i32
        %dma_wait3A_42 = tpu.memref_slice %arg10[%add3A_38, %dma_wait3A] : memref<10000x128xf32, #tpu.memory_space<vmem_shared>> -> memref<16x128xf32, #tpu.memory_space<vmem_shared>>
        %dma_wait3A_43 = arith.constant 0 : i32
        %dma_wait3A_44 = tpu.memref_slice %arg10[%add3A_38, %dma_wait3A_43] : memref<10000x128xf32, #tpu.memory_space<vmem_shared>> -> memref<16x128xf32, #tpu.memory_space<vmem_shared>>
        tpu.wait_dma2 semaphore(%run_scoped3A : memref<!tpu.dma_semaphore, #tpu.memory_space<semaphore_mem>>) src(%arg9 : memref<16x128xf32, #tpu.memory_space<vmem>>) dst(%dma_wait3A_44 : memref<16x128xf32, #tpu.memory_space<vmem_shared>>)
        tpu.yield
      }) : () -> ()
    }
    %scan3A_12 = arith.constant 39 : i32
    %eq3A = arith.constant 15 : i32
    %eq3A_13 = arith.cmpi eq, %arg1, %eq3A : i32
    %convert_element_type3A = arith.extui %eq3A_13 : i1 to i32
    %cond3A = arith.constant 0 : i32
    %cond3A_14 = arith.cmpi ne, %convert_element_type3A, %cond3A : i32
    scf.if %cond3A_14 {
      "tpu.region"() ({
        %run_scoped3A = tpu.sem_alloc : memref<!tpu.dma_semaphore, #tpu.memory_space<semaphore_mem>>
        %dma_start3A = arith.constant 9984 : i32
        %dma_start3A_33 = arith.constant 0 : i32
        %dma_start3A_34 = tpu.memref_slice %arg10[%dma_start3A, %dma_start3A_33] : memref<10000x128xf32, #tpu.memory_space<vmem_shared>> -> memref<16x128xf32, #tpu.memory_space<vmem_shared>>
        %dma_start3A_35 = arith.constant 9984 : i32
        %dma_start3A_36 = arith.constant 0 : i32
        %dma_start3A_37 = tpu.memref_slice %arg10[%dma_start3A_35, %dma_start3A_36] : memref<10000x128xf32, #tpu.memory_space<vmem_shared>> -> memref<16x128xf32, #tpu.memory_space<vmem_shared>>
        tpu.enqueue_dma source(%arg9 : memref<16x128xf32, #tpu.memory_space<vmem>>) target(%dma_start3A_37 : memref<16x128xf32, #tpu.memory_space<vmem_shared>>) target_semaphore(%run_scoped3A : memref<!tpu.dma_semaphore, #tpu.memory_space<semaphore_mem>>)
        %dma_wait3A = arith.constant 9984 : i32
        %dma_wait3A_38 = arith.constant 0 : i32
        %dma_wait3A_39 = tpu.memref_slice %arg10[%dma_wait3A, %dma_wait3A_38] : memref<10000x128xf32, #tpu.memory_space<vmem_shared>> -> memref<16x128xf32, #tpu.memory_space<vmem_shared>>
        %dma_wait3A_40 = arith.constant 9984 : i32
        %dma_wait3A_41 = arith.constant 0 : i32
        %dma_wait3A_42 = tpu.memref_slice %arg10[%dma_wait3A_40, %dma_wait3A_41] : memref<10000x128xf32, #tpu.memory_space<vmem_shared>> -> memref<16x128xf32, #tpu.memory_space<vmem_shared>>
        tpu.wait_dma2 semaphore(%run_scoped3A : memref<!tpu.dma_semaphore, #tpu.memory_space<semaphore_mem>>) src(%arg9 : memref<16x128xf32, #tpu.memory_space<vmem>>) dst(%dma_wait3A_42 : memref<16x128xf32, #tpu.memory_space<vmem_shared>>)
        tpu.yield
      }) : () -> ()
    } else {
    }
    %barrier3A = arith.constant 0 : index
    tpu.barrier barrier_id(%barrier3A)
    %mul3A_15 = arith.constant 10000 : i32
    %mul3A_16 = arith.muli %add3A, %mul3A_15 : i32
    %scan3A_17 = arith.constant 0 : i32
    %scan3A_18 = arith.constant 0 : i32
    %scan3A_19 = arith.constant 125 : i32
    %scan3A_20 = arith.addi %scan3A_18, %scan3A_19 : i32
    %scan3A_21 = arith.constant 1 : i32
    scf.for %scan3A_33 = %scan3A_18 to %scan3A_20 step %scan3A_21  : i32 {
      %mul3A_34 = arith.constant 80 : i32
      %mul3A_35 = arith.muli %scan3A_33, %mul3A_34 : i32
      %add3A_36 = arith.addi %mul3A_16, %mul3A_35 : i32
      "tpu.region"() ({
        %run_scoped3A = tpu.sem_alloc : memref<!tpu.dma_semaphore, #tpu.memory_space<semaphore_mem>>
        %dma_start3A_41 = tpu.memref_slice %arg3[%add3A_36] : memref<320000xi32, #tpu.memory_space<hbm>> -> memref<80xi32, #tpu.memory_space<hbm>>
        %dma_start3A_42 = tpu.memref_slice %arg3[%add3A_36] : memref<320000xi32, #tpu.memory_space<hbm>> -> memref<80xi32, #tpu.memory_space<hbm>>
        tpu.enqueue_dma source(%dma_start3A_42 : memref<80xi32, #tpu.memory_space<hbm>>) target(%arg6 : memref<80xi32, #tpu.memory_space<vmem>>) target_semaphore(%run_scoped3A : memref<!tpu.dma_semaphore, #tpu.memory_space<semaphore_mem>>)
        %dma_wait3A_43 = tpu.memref_slice %arg3[%add3A_36] : memref<320000xi32, #tpu.memory_space<hbm>> -> memref<80xi32, #tpu.memory_space<hbm>>
        %dma_wait3A_44 = tpu.memref_slice %arg3[%add3A_36] : memref<320000xi32, #tpu.memory_space<hbm>> -> memref<80xi32, #tpu.memory_space<hbm>>
        tpu.wait_dma2 semaphore(%run_scoped3A : memref<!tpu.dma_semaphore, #tpu.memory_space<semaphore_mem>>) src(%dma_wait3A_44 : memref<80xi32, #tpu.memory_space<hbm>>) dst(%arg6 : memref<80xi32, #tpu.memory_space<vmem>>)
        tpu.yield
      }) : () -> ()
      "tpu.region"() ({
        %run_scoped3A = tpu.sem_alloc : memref<!tpu.dma_semaphore, #tpu.memory_space<semaphore_mem>>
        %dma_start3A_41 = tpu.memref_slice %arg4[%add3A_36] : memref<320000xi32, #tpu.memory_space<hbm>> -> memref<80xi32, #tpu.memory_space<hbm>>
        %dma_start3A_42 = tpu.memref_slice %arg4[%add3A_36] : memref<320000xi32, #tpu.memory_space<hbm>> -> memref<80xi32, #tpu.memory_space<hbm>>
        tpu.enqueue_dma source(%dma_start3A_42 : memref<80xi32, #tpu.memory_space<hbm>>) target(%arg7 : memref<80xi32, #tpu.memory_space<vmem>>) target_semaphore(%run_scoped3A : memref<!tpu.dma_semaphore, #tpu.memory_space<semaphore_mem>>)
        %dma_wait3A_43 = tpu.memref_slice %arg4[%add3A_36] : memref<320000xi32, #tpu.memory_space<hbm>> -> memref<80xi32, #tpu.memory_space<hbm>>
        %dma_wait3A_44 = tpu.memref_slice %arg4[%add3A_36] : memref<320000xi32, #tpu.memory_space<hbm>> -> memref<80xi32, #tpu.memory_space<hbm>>
        tpu.wait_dma2 semaphore(%run_scoped3A : memref<!tpu.dma_semaphore, #tpu.memory_space<semaphore_mem>>) src(%dma_wait3A_44 : memref<80xi32, #tpu.memory_space<hbm>>) dst(%arg7 : memref<80xi32, #tpu.memory_space<vmem>>)
        tpu.yield
      }) : () -> ()
      %dma_start3A = arith.constant 0 : i32
      %dma_start3A_37 = arith.constant 0 : i32
      %dma_start3A_38 = tpu.memref_slice %arg2[%dma_start3A, %dma_start3A_37] : memref<10000x128xf32, #tpu.memory_space<hbm>> -> memref<10000x128xf32, #tpu.memory_space<hbm>>
      tpu.enqueue_indirect_dma source(%dma_start3A_38 : memref<10000x128xf32, #tpu.memory_space<hbm>>) target(%arg8 : memref<80x128xf32, #tpu.memory_space<vmem>>) offsets(%arg6 : memref<80xi32, #tpu.memory_space<vmem>>) semaphore(%arg11 : memref<!tpu.dma_semaphore, #tpu.memory_space<semaphore_mem>>)
      %dma_wait3A = arith.constant 0 : i32
      %dma_wait3A_39 = arith.constant 0 : i32
      %dma_wait3A_40 = tpu.memref_slice %arg2[%dma_wait3A, %dma_wait3A_39] : memref<10000x128xf32, #tpu.memory_space<hbm>> -> memref<10000x128xf32, #tpu.memory_space<hbm>>
      tpu.wait_indirect_dma semaphore(%arg11 : memref<!tpu.dma_semaphore, #tpu.memory_space<semaphore_mem>>) src(%dma_wait3A_40 : memref<10000x128xf32, #tpu.memory_space<hbm>>) dst(%arg8 : memref<80x128xf32, #tpu.memory_space<vmem>>)
      "tpu.region"() ({
        %run_scoped3A = tpu.sem_alloc : memref<!tpu.dma_semaphore, #tpu.memory_space<semaphore_mem>>
        %dma_start3A_41 = arith.constant 0 : i32
        %dma_start3A_42 = arith.constant 0 : i32
        %dma_start3A_43 = tpu.memref_slice %arg10[%dma_start3A_41, %dma_start3A_42] : memref<10000x128xf32, #tpu.memory_space<vmem_shared>> -> memref<10000x128xf32, #tpu.memory_space<vmem_shared>>
        tpu.enqueue_indirect_dma source(%arg8 : memref<80x128xf32, #tpu.memory_space<vmem>>) target(%dma_start3A_43 : memref<10000x128xf32, #tpu.memory_space<vmem_shared>>) offsets(%arg7 : memref<80xi32, #tpu.memory_space<vmem>>) semaphore(%run_scoped3A : memref<!tpu.dma_semaphore, #tpu.memory_space<semaphore_mem>>) {add = true}
        %dma_wait3A_44 = arith.constant 0 : i32
        %dma_wait3A_45 = arith.constant 0 : i32
        %dma_wait3A_46 = tpu.memref_slice %arg10[%dma_wait3A_44, %dma_wait3A_45] : memref<10000x128xf32, #tpu.memory_space<vmem_shared>> -> memref<10000x128xf32, #tpu.memory_space<vmem_shared>>
        tpu.wait_indirect_dma semaphore(%run_scoped3A : memref<!tpu.dma_semaphore, #tpu.memory_space<semaphore_mem>>) src(%arg8 : memref<80x128xf32, #tpu.memory_space<vmem>>) dst(%dma_wait3A_46 : memref<10000x128xf32, #tpu.memory_space<vmem_shared>>)
        tpu.yield
      }) : () -> ()
    }
    %scan3A_22 = arith.constant 125 : i32
    %barrier3A_23 = arith.constant 0 : index
    tpu.barrier barrier_id(%barrier3A_23)
    %mul3A_24 = arith.constant 624 : i32
    %mul3A_25 = arith.muli %arg1, %mul3A_24 : i32
    %mul3A_26 = arith.constant 624 : i32
    %mul3A_27 = arith.muli %arg1, %mul3A_26 : i32
    "tpu.region"() ({
      %run_scoped3A = tpu.sem_alloc : memref<!tpu.dma_semaphore, #tpu.memory_space<semaphore_mem>>
      %dma_start3A = arith.constant 0 : i32
      %dma_start3A_33 = tpu.memref_slice %arg5[%arg0, %mul3A_27, %dma_start3A] : memref<2x10000x128xf32, #tpu.memory_space<hbm>> -> memref<1x624x128xf32, #tpu.memory_space<hbm>>
      %dma_start3A_34 = tpu.memref_squeeze %dma_start3A_33 : memref<1x624x128xf32, #tpu.memory_space<hbm>> -> memref<624x128xf32, #tpu.memory_space<hbm>>
      %dma_start3A_35 = arith.constant 0 : i32
      %dma_start3A_36 = tpu.memref_slice %arg10[%mul3A_25, %dma_start3A_35] : memref<10000x128xf32, #tpu.memory_space<vmem_shared>> -> memref<624x128xf32, #tpu.memory_space<vmem_shared>>
      tpu.enqueue_dma source(%dma_start3A_36 : memref<624x128xf32, #tpu.memory_space<vmem_shared>>) target(%dma_start3A_34 : memref<624x128xf32, #tpu.memory_space<hbm>>) target_semaphore(%run_scoped3A : memref<!tpu.dma_semaphore, #tpu.memory_space<semaphore_mem>>)
      %dma_wait3A = arith.constant 0 : i32
      %dma_wait3A_37 = tpu.memref_slice %arg5[%arg0, %mul3A_27, %dma_wait3A] : memref<2x10000x128xf32, #tpu.memory_space<hbm>> -> memref<1x624x128xf32, #tpu.memory_space<hbm>>
      %dma_wait3A_38 = tpu.memref_squeeze %dma_wait3A_37 : memref<1x624x128xf32, #tpu.memory_space<hbm>> -> memref<624x128xf32, #tpu.memory_space<hbm>>
      %dma_wait3A_39 = arith.constant 0 : i32
      %dma_wait3A_40 = tpu.memref_slice %arg10[%mul3A_25, %dma_wait3A_39] : memref<10000x128xf32, #tpu.memory_space<vmem_shared>> -> memref<624x128xf32, #tpu.memory_space<vmem_shared>>
      tpu.wait_dma2 semaphore(%run_scoped3A : memref<!tpu.dma_semaphore, #tpu.memory_space<semaphore_mem>>) src(%dma_wait3A_40 : memref<624x128xf32, #tpu.memory_space<vmem_shared>>) dst(%dma_wait3A_38 : memref<624x128xf32, #tpu.memory_space<hbm>>)
      tpu.yield
    }) : () -> ()
    %eq3A_28 = arith.constant 15 : i32
    %eq3A_29 = arith.cmpi eq, %arg1, %eq3A_28 : i32
    %convert_element_type3A_30 = arith.extui %eq3A_29 : i1 to i32
    %cond3A_31 = arith.constant 0 : i32
    %cond3A_32 = arith.cmpi ne, %convert_element_type3A_30, %cond3A_31 : i32
    scf.if %cond3A_32 {
      "tpu.region"() ({
        %run_scoped3A = tpu.sem_alloc : memref<!tpu.dma_semaphore, #tpu.memory_space<semaphore_mem>>
        %dma_start3A = arith.constant 9984 : i32
        %dma_start3A_33 = arith.constant 0 : i32
        %dma_start3A_34 = tpu.memref_slice %arg5[%arg0, %dma_start3A, %dma_start3A_33] : memref<2x10000x128xf32, #tpu.memory_space<hbm>> -> memref<1x16x128xf32, #tpu.memory_space<hbm>>
        %dma_start3A_35 = tpu.memref_squeeze %dma_start3A_34 : memref<1x16x128xf32, #tpu.memory_space<hbm>> -> memref<16x128xf32, #tpu.memory_space<hbm>>
        %dma_start3A_36 = arith.constant 9984 : i32
        %dma_start3A_37 = arith.constant 0 : i32
        %dma_start3A_38 = tpu.memref_slice %arg10[%dma_start3A_36, %dma_start3A_37] : memref<10000x128xf32, #tpu.memory_space<vmem_shared>> -> memref<16x128xf32, #tpu.memory_space<vmem_shared>>
        tpu.enqueue_dma source(%dma_start3A_38 : memref<16x128xf32, #tpu.memory_space<vmem_shared>>) target(%dma_start3A_35 : memref<16x128xf32, #tpu.memory_space<hbm>>) target_semaphore(%run_scoped3A : memref<!tpu.dma_semaphore, #tpu.memory_space<semaphore_mem>>)
        %dma_wait3A = arith.constant 9984 : i32
        %dma_wait3A_39 = arith.constant 0 : i32
        %dma_wait3A_40 = tpu.memref_slice %arg5[%arg0, %dma_wait3A, %dma_wait3A_39] : memref<2x10000x128xf32, #tpu.memory_space<hbm>> -> memref<1x16x128xf32, #tpu.memory_space<hbm>>
        %dma_wait3A_41 = tpu.memref_squeeze %dma_wait3A_40 : memref<1x16x128xf32, #tpu.memory_space<hbm>> -> memref<16x128xf32, #tpu.memory_space<hbm>>
        %dma_wait3A_42 = arith.constant 9984 : i32
        %dma_wait3A_43 = arith.constant 0 : i32
        %dma_wait3A_44 = tpu.memref_slice %arg10[%dma_wait3A_42, %dma_wait3A_43] : memref<10000x128xf32, #tpu.memory_space<vmem_shared>> -> memref<16x128xf32, #tpu.memory_space<vmem_shared>>
        tpu.wait_dma2 semaphore(%run_scoped3A : memref<!tpu.dma_semaphore, #tpu.memory_space<semaphore_mem>>) src(%dma_wait3A_44 : memref<16x128xf32, #tpu.memory_space<vmem_shared>>) dst(%dma_wait3A_41 : memref<16x128xf32, #tpu.memory_space<hbm>>)
        tpu.yield
      }) : () -> ()
    } else {
    }
    return
  }
}

module attributes {stable_mosaic.version = 14 : i64} {
  func.func @_mm_body(%arg0: i32, %arg1: memref<2000x128xf32, #tpu.memory_space<vmem>>, %arg2: memref<128x128xf32, #tpu.memory_space<vmem>>, %arg3: memref<2000x128xf32, #tpu.memory_space<vmem>>) attributes {dimension_semantics = [#tpu.dimension_semantics<arbitrary>], iteration_bounds = array<i64: 5>, scalar_prefetch = 0 : i64, scratch_operands = 0 : i64, tpu.core_type = #tpu.core_type<tc>, window_params = [{transform_indices = @transform_0, window_bounds = array<i64: 2000, 128>}, {pipeline_mode = #tpu.pipeline_mode<synchronous>, transform_indices = @transform_1, window_bounds = array<i64: 128, 128>}, {transform_indices = @transform_2, window_bounds = array<i64: 2000, 128>}]} {
    %get3A = arith.constant 0 : index
    %get3A_0 = arith.constant 0 : index
    %get3A_1 = vector.load %arg1[%get3A, %get3A_0] : memref<2000x128xf32, #tpu.memory_space<vmem>>, vector<2000x128xf32>
    %get3A_2 = arith.constant 0 : index
    %get3A_3 = arith.constant 0 : index
    %get3A_4 = vector.load %arg2[%get3A_2, %get3A_3] : memref<128x128xf32, #tpu.memory_space<vmem>>, vector<128x128xf32>
    %dot_general3A = arith.constant dense<0.000000e+00> : vector<2000x128xf32>
    %dot_general3A_5 = tpu.matmul %get3A_1, %get3A_4, %dot_general3A {dimension_numbers = #tpu.dot_dimension_numbers<[1], [0], [0], [1], [0, 0, 1, 1], [], []>, transpose_lhs_hint = false} : vector<2000x128xf32>, vector<128x128xf32>, vector<2000x128xf32> -> vector<2000x128xf32>
    %swap3A = arith.constant 0 : index
    %swap3A_6 = arith.constant 0 : index
    %swap3A_7 = vector.load %arg3[%swap3A, %swap3A_6] : memref<2000x128xf32, #tpu.memory_space<vmem>>, vector<2000x128xf32>
    tpu.vector_store %arg3[%swap3A, %swap3A_6], %dot_general3A_5 {strides = array<i32>} : memref<2000x128xf32, #tpu.memory_space<vmem>>, vector<2000x128xf32>,
    return
  }
  func.func @transform_0(%arg0: i32) -> (i32, i32) {
    %c0_i32 = arith.constant 0 : i32
    %c0_i32_0 = arith.constant 0 : i32
    return %arg0, %c0_i32 : i32, i32
  }
  func.func @transform_1(%arg0: i32) -> (i32, i32) {
    %c0_i32 = arith.constant 0 : i32
    %c0_i32_0 = arith.constant 0 : i32
    %c0_i32_1 = arith.constant 0 : i32
    return %c0_i32, %c0_i32_0 : i32, i32
  }
  func.func @transform_2(%arg0: i32) -> (i32, i32) {
    %c0_i32 = arith.constant 0 : i32
    %c0_i32_0 = arith.constant 0 : i32
    return %arg0, %c0_i32 : i32, i32
  }
}

module attributes {stable_mosaic.version = 14 : i64} {
  func.func @_fuse_body(%arg0: i32, %arg1: memref<2000x128xf32, #tpu.memory_space<vmem>>, %arg2: memref<2000x128xf32, #tpu.memory_space<vmem>>, %arg3: memref<1x128xf32, #tpu.memory_space<vmem>>, %arg4: memref<128x128xf32, #tpu.memory_space<vmem>>, %arg5: memref<2000x128xf32, #tpu.memory_space<vmem>>) attributes {dimension_semantics = [#tpu.dimension_semantics<arbitrary>], iteration_bounds = array<i64: 5>, scalar_prefetch = 0 : i64, scratch_operands = 0 : i64, tpu.core_type = #tpu.core_type<tc>, window_params = [{transform_indices = @transform_0, window_bounds = array<i64: 2000, 128>}, {transform_indices = @transform_1, window_bounds = array<i64: 2000, 128>}, {pipeline_mode = #tpu.pipeline_mode<synchronous>, transform_indices = @transform_2, window_bounds = array<i64: 1, 128>}, {pipeline_mode = #tpu.pipeline_mode<synchronous>, transform_indices = @transform_3, window_bounds = array<i64: 128, 128>}, {transform_indices = @transform_4, window_bounds = array<i64: 2000, 128>}]} {
    %get3A = arith.constant 0 : index
    %get3A_0 = arith.constant 0 : index
    %get3A_1 = vector.load %arg1[%get3A, %get3A_0] : memref<2000x128xf32, #tpu.memory_space<vmem>>, vector<2000x128xf32>
    %get3A_2 = arith.constant 0 : index
    %get3A_3 = arith.constant 0 : index
    %get3A_4 = vector.load %arg2[%get3A_2, %get3A_3] : memref<2000x128xf32, #tpu.memory_space<vmem>>, vector<2000x128xf32>
    %add3A = arith.addf %get3A_1, %get3A_4 : vector<2000x128xf32>
    %get3A_5 = arith.constant 0 : index
    %get3A_6 = arith.constant 0 : index
    %get3A_7 = vector.load %arg3[%get3A_5, %get3A_6] : memref<1x128xf32, #tpu.memory_space<vmem>>, vector<1x128xf32>
    %add3A_8 = vector.broadcast %get3A_7 : vector<1x128xf32> to vector<2000x128xf32>
    %add3A_9 = arith.addf %add3A, %add3A_8 : vector<2000x128xf32>
    %max3A = arith.constant 0.000000e+00 : f32
    %max3A_10 = vector.broadcast %max3A : f32 to vector<2000x128xf32>
    %max3A_11 = arith.maximumf %add3A_9, %max3A_10 : vector<2000x128xf32>
    %get3A_12 = arith.constant 0 : index
    %get3A_13 = arith.constant 0 : index
    %get3A_14 = vector.load %arg4[%get3A_12, %get3A_13] : memref<128x128xf32, #tpu.memory_space<vmem>>, vector<128x128xf32>
    %dot_general3A = arith.constant dense<0.000000e+00> : vector<2000x128xf32>
    %dot_general3A_15 = tpu.matmul %max3A_11, %get3A_14, %dot_general3A {dimension_numbers = #tpu.dot_dimension_numbers<[1], [0], [0], [1], [0, 0, 1, 1], [], []>, transpose_lhs_hint = false} : vector<2000x128xf32>, vector<128x128xf32>, vector<2000x128xf32> -> vector<2000x128xf32>
    %swap3A = arith.constant 0 : index
    %swap3A_16 = arith.constant 0 : index
    %swap3A_17 = vector.load %arg5[%swap3A, %swap3A_16] : memref<2000x128xf32, #tpu.memory_space<vmem>>, vector<2000x128xf32>
    tpu.vector_store %arg5[%swap3A, %swap3A_16], %dot_general3A_15 {strides = array<i32>} : memref<2000x128xf32, #tpu.memory_space<vmem>>, vector<2000x128xf32>,
    return
  }
  func.func @transform_0(%arg0: i32) -> (i32, i32) {
    %c0_i32 = arith.constant 0 : i32
    %c0_i32_0 = arith.constant 0 : i32
    return %arg0, %c0_i32 : i32, i32
  }
  func.func @transform_1(%arg0: i32) -> (i32, i32) {
    %c0_i32 = arith.constant 0 : i32
    %c0_i32_0 = arith.constant 0 : i32
    return %arg0, %c0_i32 : i32, i32
  }
  func.func @transform_2(%arg0: i32) -> (i32, i32) {
    %c0_i32 = arith.constant 0 : i32
    %c0_i32_0 = arith.constant 0 : i32
    %c0_i32_1 = arith.constant 0 : i32
    return %c0_i32, %c0_i32_0 : i32, i32
  }
  func.func @transform_3(%arg0: i32) -> (i32, i32) {
    %c0_i32 = arith.constant 0 : i32
    %c0_i32_0 = arith.constant 0 : i32
    %c0_i32_1 = arith.constant 0 : i32
    return %c0_i32, %c0_i32_0 : i32, i32
  }
  func.func @transform_4(%arg0: i32) -> (i32, i32) {
    %c0_i32 = arith.constant 0 : i32
    %c0_i32_0 = arith.constant 0 : i32
    return %arg0, %c0_i32 : i32, i32
  }
}

module attributes {stable_mosaic.version = 14 : i64} {
  func.func @_final_body(%arg0: i32, %arg1: memref<2000x128xf32, #tpu.memory_space<vmem>>, %arg2: memref<2000x128xf32, #tpu.memory_space<vmem>>, %arg3: memref<1x128xf32, #tpu.memory_space<vmem>>, %arg4: memref<128x64xf32, #tpu.memory_space<vmem>>, %arg5: memref<1x64xf32, #tpu.memory_space<vmem>>, %arg6: memref<2000x64xf32, #tpu.memory_space<vmem>>) attributes {dimension_semantics = [#tpu.dimension_semantics<arbitrary>], iteration_bounds = array<i64: 5>, scalar_prefetch = 0 : i64, scratch_operands = 0 : i64, tpu.core_type = #tpu.core_type<tc>, window_params = [{transform_indices = @transform_0, window_bounds = array<i64: 2000, 128>}, {transform_indices = @transform_1, window_bounds = array<i64: 2000, 128>}, {pipeline_mode = #tpu.pipeline_mode<synchronous>, transform_indices = @transform_2, window_bounds = array<i64: 1, 128>}, {pipeline_mode = #tpu.pipeline_mode<synchronous>, transform_indices = @transform_3, window_bounds = array<i64: 128, 64>}, {pipeline_mode = #tpu.pipeline_mode<synchronous>, transform_indices = @transform_4, window_bounds = array<i64: 1, 64>}, {transform_indices = @transform_5, window_bounds = array<i64: 2000, 64>}]} {
    %get3A = arith.constant 0 : index
    %get3A_0 = arith.constant 0 : index
    %get3A_1 = vector.load %arg1[%get3A, %get3A_0] : memref<2000x128xf32, #tpu.memory_space<vmem>>, vector<2000x128xf32>
    %get3A_2 = arith.constant 0 : index
    %get3A_3 = arith.constant 0 : index
    %get3A_4 = vector.load %arg2[%get3A_2, %get3A_3] : memref<2000x128xf32, #tpu.memory_space<vmem>>, vector<2000x128xf32>
    %add3A = arith.addf %get3A_1, %get3A_4 : vector<2000x128xf32>
    %get3A_5 = arith.constant 0 : index
    %get3A_6 = arith.constant 0 : index
    %get3A_7 = vector.load %arg3[%get3A_5, %get3A_6] : memref<1x128xf32, #tpu.memory_space<vmem>>, vector<1x128xf32>
    %add3A_8 = vector.broadcast %get3A_7 : vector<1x128xf32> to vector<2000x128xf32>
    %add3A_9 = arith.addf %add3A, %add3A_8 : vector<2000x128xf32>
    %max3A = arith.constant 0.000000e+00 : f32
    %max3A_10 = vector.broadcast %max3A : f32 to vector<2000x128xf32>
    %max3A_11 = arith.maximumf %add3A_9, %max3A_10 : vector<2000x128xf32>
    %get3A_12 = arith.constant 0 : index
    %get3A_13 = arith.constant 0 : index
    %get3A_14 = vector.load %arg4[%get3A_12, %get3A_13] : memref<128x64xf32, #tpu.memory_space<vmem>>, vector<128x64xf32>
    %dot_general3A = arith.constant dense<0.000000e+00> : vector<2000x64xf32>
    %dot_general3A_15 = tpu.matmul %max3A_11, %get3A_14, %dot_general3A {dimension_numbers = #tpu.dot_dimension_numbers<[1], [0], [0], [1], [0, 0, 1, 1], [], []>, transpose_lhs_hint = false} : vector<2000x128xf32>, vector<128x64xf32>, vector<2000x64xf32> -> vector<2000x64xf32>
    %get3A_16 = arith.constant 0 : index
    %get3A_17 = arith.constant 0 : index
    %get3A_18 = vector.load %arg5[%get3A_16, %get3A_17] : memref<1x64xf32, #tpu.memory_space<vmem>>, vector<1x64xf32>
    %add3A_19 = vector.broadcast %get3A_18 : vector<1x64xf32> to vector<2000x64xf32>
    %add3A_20 = arith.addf %dot_general3A_15, %add3A_19 : vector<2000x64xf32>
    %logistic3A = arith.negf %add3A_20 : vector<2000x64xf32>
    %logistic3A_21 = math.exp %logistic3A : vector<2000x64xf32>
    %logistic3A_22 = arith.constant 1.000000e+00 : f32
    %logistic3A_23 = vector.broadcast %logistic3A_22 : f32 to vector<2000x64xf32>
    %logistic3A_24 = arith.addf %logistic3A_23, %logistic3A_21 : vector<2000x64xf32>
    %logistic3A_25 = arith.divf %logistic3A_23, %logistic3A_24 : vector<2000x64xf32>
    %swap3A = arith.constant 0 : index
    %swap3A_26 = arith.constant 0 : index
    %swap3A_27 = vector.load %arg6[%swap3A, %swap3A_26] : memref<2000x64xf32, #tpu.memory_space<vmem>>, vector<2000x64xf32>
    tpu.vector_store %arg6[%swap3A, %swap3A_26], %logistic3A_25 {strides = array<i32>} : memref<2000x64xf32, #tpu.memory_space<vmem>>, vector<2000x64xf32>,
    return
  }
  func.func @transform_0(%arg0: i32) -> (i32, i32) {
    %c0_i32 = arith.constant 0 : i32
    %c0_i32_0 = arith.constant 0 : i32
    return %arg0, %c0_i32 : i32, i32
  }
  func.func @transform_1(%arg0: i32) -> (i32, i32) {
    %c0_i32 = arith.constant 0 : i32
    %c0_i32_0 = arith.constant 0 : i32
    return %arg0, %c0_i32 : i32, i32
  }
  func.func @transform_2(%arg0: i32) -> (i32, i32) {
    %c0_i32 = arith.constant 0 : i32
    %c0_i32_0 = arith.constant 0 : i32
    %c0_i32_1 = arith.constant 0 : i32
    return %c0_i32, %c0_i32_0 : i32, i32
  }
  func.func @transform_3(%arg0: i32) -> (i32, i32) {
    %c0_i32 = arith.constant 0 : i32
    %c0_i32_0 = arith.constant 0 : i32
    %c0_i32_1 = arith.constant 0 : i32
    return %c0_i32, %c0_i32_0 : i32, i32
  }
  func.func @transform_4(%arg0: i32) -> (i32, i32) {
    %c0_i32 = arith.constant 0 : i32
    %c0_i32_0 = arith.constant 0 : i32
    %c0_i32_1 = arith.constant 0 : i32
    return %c0_i32, %c0_i32_0 : i32, i32
  }
  func.func @transform_5(%arg0: i32) -> (i32, i32) {
    %c0_i32 = arith.constant 0 : i32
    %c0_i32_0 = arith.constant 0 : i32
    return %arg0, %c0_i32 : i32, i32
  }
}

</mosaic_0001>

<sc_bundles>
// kernel: kernel.10.cloned.1.call-start
scs
__scs_entry_jumppad:
0x0: {  	(pc) =	sbr.rel $0x88, $3  }
0x1: {  	(tag) =	ssettag $0x0;
	lr =	simm.s32 $0x1  }
0x2: {  	[smem:$0x3F99] =	sst lr;
	_ =	strace $0xD0000000  }
0x3: {  	_ = 	snop  }
0x4: {  	_ = 	snop  }
0x5: {  	_ = 	snop  }
0x6: {  	_ = 	snop  }
0x7: {  	_ = 	snop  }
__scs_overlays_trampoline_lowered:
0x8: {  	[smem:$0x3FA8] =	sst s0  }
0x9: {  	[smem:$0x3FA9] =	sst s1  }
0xa: {  	[smem:$0x3FAA] =	sst s2  }
0xb: {  	[smem:$0x3FAB] =	sst s3  }
0xc: {  	[smem:$0x3FAC] =	sst s4  }
0xd: {  	[smem:$0x3FAD] =	sst s5  }
0xe: {  	[smem:$0x3FAE] =	sst s6  }
0xf: {  	[smem:$0x3FAF] =	sst s7  }
0x10: {  	[smem:$0x3FB0] =	sst s8  }
0x11: {  	[smem:$0x3FB1] =	sst s9;
	s0 =	simm.s32 @!p0 $0x0  }
0x12: {  	s1 =	sld [smem:$0x3F97];
	s0 =	simm.s32 @p0 $0x1  }
0x13: {  	[smem:$0x3FB2] =	sst s0;
	s0 =	simm.s32 @!p1 $0x0  }
0x14: {  	s2 =	sld [smem:$0x3F96];
	s0 =	simm.s32 @p1 $0x1  }
0x15: {  	[smem:$0x3FB3] =	sst s0;
	s0 =	simm.s32 @!p2 $0x0  }
0x16: {  	s3 =	sld [smem:$0x3FDB];
	s0 =	simm.s32 @p2 $0x1  }
0x17: {  	s4 =	simm.s32 $0x1BF5;
	[smem:$0x3FB5] =	sst s0  }
0x18: {  	s0 =	sld [smem:$0x3F98];
	_ =	swait.ge [sflag:s4], $0x0  }
0x19: {  	s7 =	sld [smem:$0x3F99]  }
0x1a: {  	s8 =	sadd.s32 $0xFFFFE003, lr  }
0x1b: {  	s9 =	sadd.s32 $0xFFFFFEF7, lr;
	s5 =	simm.s32 $0xFFFFFFFF;
	p2 =	slt.u32 s8, $0xFFFFF086  }
0x1c: {  	p1 =	slt.u32 s9, $0xF7A;
	s5 =	simm.s32 @!p2 $0x0  }
0x1d: {  	s5 =	simm.s32 @p1 $0x1;
	p0 =	seq.s32 s7, s2  }
0x1e: {  	s7 =	smul.u32 @!p0 $0xF7A, s2;
	p2 =	seq.s32 @!p0 s5, $0x0  }
0x1f: {  	s9 =	smul.u32 $0xF7A, s1;
	s8 =	simm.s32 @!p0 $0x1BF5;
	p2 =	por !p2, p0  }
0x20: {  	[sflag:s8] =	ssyncset.s32 @!p0 $0xFFFFF086;
	s6 =	sadd.s32 @!p0 s3, s7;
	s7 =	simm.s32 @!p0 $0x108  }
0x21: {  	s3 =	sadd.s32 s3, s9;
	s6 =	sadd.s32 @!p0 $0x88, s6;
	s7 =	simm.s32 @p2 $0x1082  }
0x22: {  	[simem:s7], [sflag:s8] =	dma.local @!p0 [hbm:s6], $0xF7A  }
0x23: {  	s9 =	sor.u32 $0xD0000000, s2;
	s6 =	simm.s32 $0x108;
	_ =	swait.ge @!p0 [sflag:s8], $0x0  }
0x24: {  	s3 =	sadd.s32 $0x88, s3;
	s6 =	simm.s32 @!p1 $0x1082;
	[sflag:s4] =	ssyncset.s32 $0xFFFFF086  }
0x25: {  	[simem:s6], [sflag:s4] =	dma.local [hbm:s3], $0xF7A  }
0x26: {  	[smem:$0x3F99] =	sst s1;
	(tag) =	ssettag s2;
	_ =	strace s9  }
0x27: {  	s1 =	sld [smem:$0x3FA9]  }
0x28: {  	s2 =	sld [smem:$0x3FAA]  }
0x29: {  	s4 =	sld [smem:$0x3FAC]  }
0x2a: {  	p0 =	seq.s32 s5, $0x0;
	s5 =	sld [smem:$0x3FAD]  }
0x2b: {  	s6 =	sld [smem:$0x3FAE]  }
0x2c: {  	s7 =	sld [smem:$0x3FAF]  }
0x2d: {  	s3 =	simm.s32 $0x108;
	s8 =	sld [smem:$0x3FB0]  }
0x2e: {  	s3 =	simm.s32 @!p0 $0x1082;
	s9 =	sld [smem:$0x3FB1]  }
0x2f: {  	lr =	sadd.s32 s0, s3;
	s0 =	sld [smem:$0x3FA8]  }
0x30: {  	s3 =	sld [smem:$0x3FAB]  }
0x31: {  	[smem:$0x3FB4] =	sst s10  }
0x32: {  	s10 =	sld [smem:$0x3FB2];
	_ =	sdelay $0x3  }
0x33: {  	p0 =	seq.s32 s10, $0x1;
	s10 =	sld [smem:$0x3FB4];
	_ =	sdelay $0x3  }
0x34: {  	[smem:$0x3FB4] =	sst s10  }
0x35: {  	s10 =	sld [smem:$0x3FB3];
	_ =	sdelay $0x3  }
0x36: {  	p1 =	seq.s32 s10, $0x1;
	s10 =	sld [smem:$0x3FB4];
	_ =	sdelay $0x3  }
0x37: {  	[smem:$0x3FB4] =	sst s10  }
0x38: {  	s10 =	sld [smem:$0x3FB5]  }
0x39: {  	_ = 	snop;
	(pc) =	sbr.ind lr, $3  }
0x3a: {  	_ = 	snop  }
0x3b: {  	_ = 	snop  }
0x3c: {  	p2 =	seq.s32 s10, $0x1;
	s10 =	sld [smem:$0x3FB4]  }
0x3d: {  	_ =	shalt  }
0x3e: {  	_ =	shalt  }
0x3f: {  	_ =	shalt  }
0x40: {  	_ =	shalt  }
0x41: {  	_ =	shalt  }
0x42: {  	_ =	shalt  }
0x43: {  	_ =	shalt  }
0x44: {  	_ =	shalt  }
0x45: {  	_ =	shalt  }
0x46: {  	_ =	shalt  }
0x47: {  	_ =	shalt  }
0x48: {  	_ =	shalt  }
0x49: {  	_ =	shalt  }
0x4a: {  	_ =	shalt  }
0x4b: {  	_ =	shalt  }
0x4c: {  	_ =	shalt  }
0x4d: {  	_ =	shalt  }
0x4e: {  	_ =	shalt  }
0x4f: {  	_ =	shalt  }
0x50: {  	_ =	shalt  }
0x51: {  	_ =	shalt  }
0x52: {  	_ =	shalt  }
0x53: {  	_ =	shalt  }
0x54: {  	_ =	shalt  }
0x55: {  	_ =	shalt  }
0x56: {  	_ =	shalt  }
0x57: {  	_ =	shalt  }
0x58: {  	_ =	shalt  }
0x59: {  	_ =	shalt  }
0x5a: {  	_ =	shalt  }
0x5b: {  	_ =	shalt  }
0x5c: {  	_ =	shalt  }
0x5d: {  	_ =	shalt  }
0x5e: {  	_ =	shalt  }
0x5f: {  	_ =	shalt  }
0x60: {  	_ =	shalt  }
0x61: {  	_ =	shalt  }
0x62: {  	_ =	shalt  }
0x63: {  	_ =	shalt  }
0x64: {  	_ =	shalt  }
0x65: {  	_ =	shalt  }
0x66: {  	_ =	shalt  }
0x67: {  	_ =	shalt  }
0x68: {  	_ =	shalt  }
0x69: {  	_ =	shalt  }
0x6a: {  	_ =	shalt  }
0x6b: {  	_ =	shalt  }
0x6c: {  	_ =	shalt  }
0x6d: {  	_ =	shalt  }
0x6e: {  	_ =	shalt  }
0x6f: {  	_ =	shalt  }
0x70: {  	_ =	shalt  }
0x71: {  	_ =	shalt  }
0x72: {  	_ =	shalt  }
0x73: {  	_ =	shalt  }
0x74: {  	_ =	shalt  }
0x75: {  	_ =	shalt  }
0x76: {  	_ =	shalt  }
0x77: {  	_ =	shalt  }
0x78: {  	_ =	shalt  }
0x79: {  	_ =	shalt  }
0x7a: {  	_ =	shalt  }
0x7b: {  	_ =	shalt  }
0x7c: {  	_ =	shalt  }
0x7d: {  	_ =	shalt  }
0x7e: {  	_ =	shalt  }
0x7f: {  	_ =	shalt  }
0x80: {  	_ =	shalt  }
0x81: {  	_ =	shalt  }
0x82: {  	_ =	shalt  }
0x83: {  	_ =	shalt  }
0x84: {  	_ =	shalt  }
0x85: {  	_ =	shalt  }
0x86: {  	_ =	shalt  }
0x87: {  	_ =	shalt  }
.Lfunc_end0:
.L_simem_size_0:
called_computation.1_lowered:
.L_overlay_start_0:
0x88: {  	s2 =	sld [smem:$0x3FD9]  }
0x89: {  	s3 =	sld [smem:$0x3FFE];
	_ =	sdelay $0x1  }
0x8a: {  	s1 =	srdreg.scid  }
0x8b: {  	s0 =	sand.u32 $0x1, s1  }
0x8c: {  	s17 =	sshll.u32 s0, $0xA;
	s2 =	sadd.s32 s3, s2  }
0x8d: {  	s2 =	sadd.s32 s2, s17  }
0x8e: {  	[smem:$0x3FC0] =	sst s2  }
0x8f: {  	_ = 	snop  }
0x90: {  	s2 =	sld [smem:$0x3FD0];
	(tm) =	ssettm $0x1  }
0x91: {  	s18 =	sld [smem:$0x3FFB];
	_ =	sdelay $0x3  }
0x92: {  	_ =	strace s18  }
0x93: {  	s3 =	sld [smem:$0x3FFC];
	_ =	sdelay $0x3  }
0x94: {  	_ =	strace s3  }
0x95: {  	s3 =	sld [smem:$0x3FFD];
	_ =	sdelay $0x3  }
0x96: {  	_ =	strace s3  }
0x97: {  	_ =	strace $0x8FFFFFFF  }
0x98: {  	s19 =	sld [smem:$0x3FDB];
	_ =	sdelay $0x1  }
0x99: {  	s4 =	simm.s32 $_scs_section_size  }
0x9a: {  	s5 =	simm.s32 $_size__tile_overlayer_lowered;
	s6 =	simm.s32 $_tile_overlayer_lowered  }
0x9b: {  	s22 =	simm.s32 $0x1BFF;
	s21 =	sshll.u32 s6, $0x1;
	s3 =	sadd.s32 s4, s19  }
0x9c: {  	s7 =	simm.s32 $0x0;
	s20 =	sshll.u32 s5, $0x1;
	s5 =	sadd.s32 s21, s3  }
0x9d: {  	[timem:s7], [sflag:s22] =	dma.local [hbm:s5], s20  }
0x9e: {  	_ =	swait.ge [sflag:s22], s20  }
0x9f: {  	s4 =	ssub.s32 $0x0, s20;
	[sflag:s22] =	ssyncset.done $0x0  }
0xa0: {  	[sflag:s22] =	ssyncadd.s32 s4;
	_ =	sdelay $0x1  }
0xa1: {  	s23 =	simm.s32 $0x1B8B  }
0xa2: {  	_ =	swait.ge [sflag:s23], $0x1  }
0xa3: {  	[sflag:s23] =	ssyncset.done $0x0  }
0xa4: {  	s25 =	simm.s32 $0x1B8E;
	s24 =	sld [smem:$0x3FFE];
	[sflag:s23] =	ssyncadd.s32 $0xFFFFFFFF  }
0xa5: {  	s26 =	simm.s32 $execute0_lowered;
	[smem:$0x3FD2] =	sst s25  }
0xa6: {  	s5 =	sshll.u32 s26, $0x1;
	_ =	strace $0x80000049;
	[dreg:$0x1] =	wrdreg $0xFFFFFFFF  }
0xa7: {  	s28 =	simm.s32 $_size_execute0_lowered;
	s3 =	sadd.s32 s3, s5;
	[dreg:$0x0] =	wrdreg $0x0  }
0xa8: {  	s5 =	sshll.u32 s28, $0x1;
	[dreg:$0x2] =	wrdreg s3  }
0xa9: {  	[dreg:$0x3] =	wrdreg s5  }
0xaa: {  	[dreg:$0x4] =	wrdreg $0xC0  }
0xab: {  	_ =	task [dreg:s7], $0x5FFFF  }
0xac: {  	[dreg:$0x1] =	wrdreg $0xFFFFFFFF  }
0xad: {  	[dreg:$0x0] =	wrdreg $0x60  }
0xae: {  	[dreg:$0x2] =	wrdreg s24  }
0xaf: {  	[dreg:$0x3] =	wrdreg s2  }
0xb0: {  	[dreg:$0x4] =	wrdreg $0x31000  }
0xb1: {  	[dreg:$0x5] =	wrdreg $0x9  }
0xb2: {  	_ =	task.clear_ibuf [dreg:s7], $0x6FFFF;
	_ =	strace $0x90000049  }
0xb3: {  	s29 =	simm.s32 $0x9;
	_ =	strace $0x8000004B  }
0xb4: {  	_ =	swait.ge [sflag:s29], $0x1  }
0xb5: {  	[sflag:s29] =	ssyncadd.s32 $0xFFFFFFFF  }
0xb6: {  	_ =	strace $0x9000004B  }
0xb7: {  	_ =	sfence  }
0xb8: {  	s30 =	sld [smem:$0x0];
	_ =	sdelay $0x2  }
0xb9: {  	s31 =	sshll.u32 s1, $0xD;
	s1 =	sshrl.u32 s1, $0x2  }
0xba: {  	s3 =	sand.u32 $0x4000, s31;
	s1 =	sadd.s32 s1, s30  }
0xbb: {  	s0 =	sor.u32 s3, s0;
	s1 =	sshll.u32 s1, $0x11  }
0xbc: {  	s0 =	sor.u32 s1, s0  }
0xbd: {  	s0 =	sadd.s32 $0x8F2B, s0  }
0xbe: {  	[sflag:s0] =	ssyncadd.remote.s32 $0x1  }
0xbf: {  	_ =	sfence.sel $0xFFFF  }
0xc0: {  	[dreg:$0x0] =	wrdreg $0xFFFFFFFF;
	(pc) =	sbr.abs _section_cstart, $3  }
0xc1: {  	[dreg:$0x1] =	wrdreg $0xFFFFFFFF  }
0xc2: {  	_ =	task.clear_ibuf [dreg:s7], $0x2FFFF;
	_ =	strace $0x9FFFFFFF  }
0xc3: {  	(tm) =	ssettm $0x7FFFFFFF  }
tec
execute0_lowered:
.L_overlay_start_1:
0x0: {  	(tag) =	ssettag $0x1  }
0x1: {  	s5 =	rddreg [dreg:$0x0]  }
0x2: {  	s10 =	rddreg [dreg:$0x1]  }
0x3: {  	s1 =	rddreg [dreg:$0x2];
	s2 =	srdreg.scid  }
0x4: {  	s0 =	rddreg [dreg:$0x3];
	s3 =	simm.s32 $0x0;
	s6 =	sand.u32 $0x1, s2  }
0x5: {  	s15 =	simm.s32 $0x50;
	s2 =	stileid.u32;
	s7 =	smul.u32 $0x27100, s6  }
0x6: {  	s16 =	simm.s32 $0x100;
	s17 =	simm.s32 $0x1;
	s8 =	smul.u32 $0x2710, s2  }
0x7: {  	s18 =	simm.s32 $0x0;
	[smem:$0x7FF] =	sst s3;
	s9 =	smul.u32 $0x4E000, s2  }
0x8: {  	s4 =	sadd.s32 $0xB400, s5;
	s13 =	sadd.s32 $0x32600, s5;
	s26 =	smul.u32 $0x138800, s6  }
0x9: {  	_ =	strace $0x8000004A;
	s6 =	ssub.s32 $0x2, s6;
	s28 =	smul.u32 $0x13800, s2  }
0xa: {  	p0 =	sne.s32 s2, $0xF;
	s29 =	sshrl.u32 s6, $0x1;
	s7 =	sadd.s32 s8, s7  }
0xb: {  	s14 =	ssub.s32 s6, s29;
	s30 =	sshrl.u32 s9, $0x2;
	s31 =	sadd.s32 s28, s26  }
0xc: {  	s8 =	sshrl.u32 s26, $0x3;
	s6 =	sadd.s32 $0x138000, s1;
	s11 =	sshrl.u32 s7, $0x3  }
0xd: {  	s7 =	sshrl.u32 s31, $0x3;
	s8 =	sadd.s32 s13, s8;
	s9 =	smax.u32 s14, $0x1  }
0xe: {  	s14 =	simm.s32 $0x80;
	s12 =	sadd.s32 s11, s5;
	s5 =	sadd.s32 s30, s1  }
0xf: {  	s7 =	sadd.s32 s13, s7;
	s8 =	sadd.s32 $0x27000, s8;
	s10 =	sadd.s32 s11, s10  }
0x10: {  	v0 =	vimm.f32 $0.0e+00;
	s13 =	simm.s32 $0x2;
	s11 =	sadd.s32 $0x1600, s12;
	s12 =	simm.s32 $0x2900  }
.LBB2_1:
0x11: {  	s19 =	simm.s32 $0x0;
	s20 =	simm.s32 $0x0  }
.LBB2_2:
0x12: {  	p1 =	sne.s32 s20, $0x1FC0  }
.Ltmp0:
0x13: {  	_ = 	snop;
	(pc) =	sbr.rel @p1 .LBB2_2-.Ltmp0, $4  }
0x14: {  	s21 =	sand.u32 $0x1E00, s20  }
0x15: {  	s22 =	sand.u32 $0x70, s19;
	s21 =	sshrl.u32 s21, $0x2  }
0x16: {  	s21 =	sor.u32 s22, s21  }
0x17: {  	s19 =	sadd.s32 $0x10, s19;
	s20 =	sadd.s32 $0x40, s20;
	[tilespmem:s21+$0x2900] =	vst v0  }
0x18: {  	s19 =	sadd.s32 $0x0, s5  }
0x19: {  	[spmem:s19] =	stream.linear.scatter [tilespmem:s12], [sflag:$0x2], $0x800, $0x38;
	[tilespmem:$0x16980] =	vst v63  }
0x1a: {  	s19 =	simm.s32 $0x2000;
	_ =	swait.ge [sflag:s13], $0x800  }
.LBB2_4:
0x1b: {  	s20 =	sshra.s32 s19, $0x2;
	[sflag:s13] =	ssyncset.done $0x0;
	p1 =	sne.s32 s19, $0x4C000  }
.Ltmp1:
0x1c: {  	s20 =	sadd.s32 s20, s5;
	[sflag:s13] =	ssyncadd.s32 $0xFFFFF800;
	(pc) =	sbr.rel @p1 .LBB2_4-.Ltmp1, $3  }
0x1d: {  	[spmem:s20] =	stream.linear.scatter [tilespmem:s12], [sflag:$0x2], $0x800, $0x38;
	[tilespmem:$0x16980] =	vst v63  }
0x1e: {  	s19 =	sadd.s32 $0x2000, s19;
	_ =	sdelay $0x1  }
0x1f: {  	_ =	swait.ge [sflag:s13], $0x800  }
0x20: {  	[sflag:s13] =	ssyncset.done $0x0  }
0x21: {  	s19 =	simm.s32 @!p0 $0x2900;
	[sflag:s13] =	ssyncadd.s32 $0xFFFFF800  }
0x22: {  	[spmem:s6] =	stream.linear.scatter @!p0 [tilespmem:s19], [sflag:$0x2], $0x800, $0x38;
	[tilespmem:$0x16980] =	vst v63  }
0x23: {  	s19 =	simm.s32 @!p0 $0x2  }
0x24: {  	_ =	swait.ge @!p0 [sflag:s19], $0x800  }
0x25: {  	[sflag:s19] =	ssyncset.done @!p0 $0x0  }
0x26: {  	[sflag:s19] =	ssyncadd.s32 @!p0 $0xFFFFF800  }
0x27: {  	s30 =	sadd.s32 $0x0, s11;
	[bflag:$0x0] =	sbarrier.arrive $0xFFFF  }
0x28: {  	[tilespmem:s3], [sflag:$0x2] =	stream.linear.gather [hbm4b:s30+s3], $0x50, $0x38;
	[tilespmem:$0x16980] =	vst v63  }
0x29: {  	_ =	swait.ge [sflag:s13], $0x50  }
0x2a: {  	[sflag:s13] =	ssyncset.done $0x0  }
0x2b: {  	s31 =	sadd.s32 $0x0, s10;
	[sflag:s13] =	ssyncadd.s32 $0xFFFFFFB0  }
0x2c: {  	[tilespmem:s14], [sflag:$0x2] =	stream.linear.gather [hbm4b:s31+s3], $0x50, $0x38;
	[tilespmem:$0x16980] =	vst v63  }
0x2d: {  	_ =	swait.ge [sflag:s13], $0x50  }
0x2e: {  	[sflag:s13] =	ssyncset.done $0x0  }
0x2f: {  	[sflag:s13] =	ssyncadd.s32 $0xFFFFFFB0  }
0x30: {  	[tilespmem:s16], [sflag:$0x1] =	stream.indirect.gather [hbm4b:s4+s15], $0x80, s3, s15, $0xb8;
	[tilespmem:$0x16980] =	vst v63  }
0x31: {  	_ =	swait.ge [sflag:s17], $0x2800  }
0x32: {  	[sflag:s17] =	ssyncset.done $0x0  }
0x33: {  	[sflag:s17] =	ssyncadd.s32 $0xFFFFD800  }
0x34: {  	[spmem:s1] =	stream.indirect.scatter.add.f32 [tilespmem:s16], [sflag:$0x2], $0x80, s14, s15, $0xb8;
	[tilespmem:$0x16980] =	vst v63  }
0x35: {  	_ =	swait.ge [sflag:s13], $0x2800  }
0x36: {  	s20 =	simm.s32 $0x14;
	s19 =	simm.s32 $0xA;
	[sflag:s13] =	ssyncset.done $0x0  }
.LBB2_6:
0x37: {  	s21 =	sadd.s32 s19, s11  }
0x38: {  	[sflag:s13] =	ssyncadd.s32 $0xFFFFD800;
	s22 =	smov.u32 s20;
	s23 =	sadd.s32 $0xA, s20  }
0x39: {  	[tilespmem:s3], [sflag:$0x2] =	stream.linear.gather [hbm4b:s21+s3], $0x50, $0x38;
	[tilespmem:$0x16980] =	vst v63  }
0x3a: {  	p1 =	sne.s32 s20, $0x4D8;
	_ =	swait.ge [sflag:s13], $0x50  }
0x3b: {  	[sflag:s13] =	ssyncset.done $0x0  }
0x3c: {  	s20 =	sadd.s32 s19, s10;
	s19 =	smov.u32 s22;
	[sflag:s13] =	ssyncadd.s32 $0xFFFFFFB0  }
0x3d: {  	[tilespmem:s14], [sflag:$0x2] =	stream.linear.gather [hbm4b:s20+s3], $0x50, $0x38;
	[tilespmem:$0x16980] =	vst v63  }
0x3e: {  	_ =	swait.ge [sflag:s13], $0x50  }
0x3f: {  	[sflag:s13] =	ssyncset.done $0x0  }
0x40: {  	[sflag:s13] =	ssyncadd.s32 $0xFFFFFFB0  }
0x41: {  	[tilespmem:s16], [sflag:$0x1] =	stream.indirect.gather [hbm4b:s4+s15], $0x80, s3, s15, $0xb8;
	[tilespmem:$0x16980] =	vst v63  }
0x42: {  	_ =	swait.ge [sflag:s17], $0x2800  }
.Ltmp2:
0x43: {  	[sflag:s17] =	ssyncset.done $0x0;
	(pc) =	sbr.rel @p1 .LBB2_6-.Ltmp2, $4  }
0x44: {  	[sflag:s17] =	ssyncadd.s32 $0xFFFFD800  }
0x45: {  	[spmem:s1] =	stream.indirect.scatter.add.f32 [tilespmem:s16], [sflag:$0x2], $0x80, s14, s15, $0xb8;
	[tilespmem:$0x16980] =	vst v63  }
0x46: {  	_ =	swait.ge [sflag:s13], $0x2800  }
0x47: {  	s20 =	smov.u32 s23;
	[sflag:s13] =	ssyncset.done $0x0  }
0x48: {  	s20 =	sadd.s32 s19, s11;
	[sflag:s13] =	ssyncadd.s32 $0xFFFFD800  }
0x49: {  	[tilespmem:s3], [sflag:$0x2] =	stream.linear.gather [hbm4b:s20+s3], $0x50, $0x38;
	[tilespmem:$0x16980] =	vst v63  }
0x4a: {  	_ =	swait.ge [sflag:s13], $0x50  }
0x4b: {  	[sflag:s13] =	ssyncset.done $0x0  }
0x4c: {  	s29 =	sadd.s32 s19, s10;
	[sflag:s13] =	ssyncadd.s32 $0xFFFFFFB0  }
0x4d: {  	[tilespmem:s14], [sflag:$0x2] =	stream.linear.gather [hbm4b:s29+s3], $0x50, $0x38;
	[tilespmem:$0x16980] =	vst v63  }
0x4e: {  	_ =	swait.ge [sflag:s13], $0x50  }
0x4f: {  	[sflag:s13] =	ssyncset.done $0x0  }
0x50: {  	[sflag:s13] =	ssyncadd.s32 $0xFFFFFFB0  }
0x51: {  	[tilespmem:s16], [sflag:$0x1] =	stream.indirect.gather [hbm4b:s4+s15], $0x80, s3, s15, $0xb8;
	[tilespmem:$0x16980] =	vst v63  }
0x52: {  	_ =	swait.ge [sflag:s17], $0x2800  }
0x53: {  	[sflag:s17] =	ssyncset.done $0x0  }
0x54: {  	[sflag:s17] =	ssyncadd.s32 $0xFFFFD800  }
0x55: {  	[spmem:s1] =	stream.indirect.scatter.add.f32 [tilespmem:s16], [sflag:$0x2], $0x80, s14, s15, $0xb8;
	[tilespmem:$0x16980] =	vst v63  }
0x56: {  	_ =	swait.ge [sflag:s13], $0x2800  }
0x57: {  	[sflag:s13] =	ssyncset.done $0x0  }
0x58: {  	s30 =	sshll.u32 s2, $0x6;
	[sflag:s13] =	ssyncadd.s32 $0xFFFFD800  }
0x59: {  	s31 =	sshrl.u32 s5, $0x3;
	s19 =	sor.u32 $0x1C02, s30;
	[bflag:$0x0] =	sbarrier.arrive $0xFFFF  }
0x5a: {  	[hbm:s7], [sflag:s19] =	dma.local [spmem:s31], $0x2700  }
0x5b: {  	_ =	swait.ge [sflag:s13], $0x2700  }
0x5c: {  	s18 =	sadd.s32 $0x1, s18;
	[sflag:s13] =	ssyncset.done $0x0  }
0x5d: {  	s20 =	sshrl.u32 @!p0 s6, $0x3;
	p1 =	sne.s32 s18, s9;
	[sflag:s13] =	ssyncadd.s32 $0xFFFFD900  }
0x5e: {  	[hbm:s8], [sflag:s19] =	dma.local @!p0 [spmem:s20], $0x100  }
.Ltmp3:
0x5f: {  	_ = 	snop;
	(pc) =	sbr.rel @p1 .LBB2_1-.Ltmp3, $4  }
0x60: {  	s19 =	simm.s32 @!p0 $0x2  }
0x61: {  	_ =	swait.ge @!p0 [sflag:s19], $0x100  }
0x62: {  	[sflag:s19] =	ssyncset.done @!p0 $0x0  }
0x63: {  	[sflag:s19] =	ssyncadd.s32 @!p0 $0xFFFFFF00  }
0x64: {  	_ =	sfence.sel $0x180000  }
0x65: {  	[bflag:$0x0] =	sbarrier.arrive $0xFFFF  }
0x66: {  	p0 =	sne.s32 s2, $0x0;
	_ =	strace $0x9000004A  }
0x67: {  	s0 =	sadd.s32 @!p0 $0x100000, s0;
	[bflag:$0x2] =	sbarrier.arrive $0xFFFF  }
0x68: {  	[sflag:s0] =	ssyncadd.tile.s32 @!p0 $0x1;
	_ =	shalt  }
.Lfunc_end2:
_tile_overlayer_lowered:
.L_overlay_start_2:
0x69: {  	(tag) =	ssettag $0x2  }
0x6a: {  	s0 =	rddreg [dreg:$0x0];
	s2 =	stileid.u32  }
0x6b: {  	s1 =	rddreg [dreg:$0x1];
	p0 =	sne.s32 s2, $0x0  }
0x6c: {  	s3 =	rddreg [dreg:$0x2];
	[bflag:$0x3] =	sbarrier.arrive $0xFFFF;
	s2 =	simm.s32 @!p0 $0x1C02  }
0x6d: {  	[timem:s3], [sflag:s2] =	dma.local @!p0 [hbm:s0], s1  }
0x6e: {  	s0 =	simm.s32 @!p0 $0x2  }
0x6f: {  	_ =	swait.ge @!p0 [sflag:s0], s1  }
0x70: {  	s1 =	ssub.s32 @!p0 $0x0, s1;
	[sflag:s0] =	ssyncset.done @!p0 $0x0  }
0x71: {  	[sflag:s0] =	ssyncadd.s32 @!p0 s1  }
0x72: {  	[bflag:$0x3] =	sbarrier.arrive $0xFFFF  }
0x73: {  	_ =	shalt  }

// kernel: kernel.7.cloned.1.call-start
scs
__scs_entry_jumppad:
0x0: {  	(pc) =	sbr.rel $0x88, $3  }
0x1: {  	(tag) =	ssettag $0x0;
	lr =	simm.s32 $0x1  }
0x2: {  	[smem:$0x3F99] =	sst lr;
	_ =	strace $0xD0000000  }
0x3: {  	_ = 	snop  }
0x4: {  	_ = 	snop  }
0x5: {  	_ = 	snop  }
0x6: {  	_ = 	snop  }
0x7: {  	_ = 	snop  }
__scs_overlays_trampoline_lowered:
0x8: {  	[smem:$0x3FA8] =	sst s0  }
0x9: {  	[smem:$0x3FA9] =	sst s1  }
0xa: {  	[smem:$0x3FAA] =	sst s2  }
0xb: {  	[smem:$0x3FAB] =	sst s3  }
0xc: {  	[smem:$0x3FAC] =	sst s4  }
0xd: {  	[smem:$0x3FAD] =	sst s5  }
0xe: {  	[smem:$0x3FAE] =	sst s6  }
0xf: {  	[smem:$0x3FAF] =	sst s7  }
0x10: {  	[smem:$0x3FB0] =	sst s8  }
0x11: {  	[smem:$0x3FB1] =	sst s9;
	s0 =	simm.s32 @!p0 $0x0  }
0x12: {  	s1 =	sld [smem:$0x3F97];
	s0 =	simm.s32 @p0 $0x1  }
0x13: {  	[smem:$0x3FB2] =	sst s0;
	s0 =	simm.s32 @!p1 $0x0  }
0x14: {  	s2 =	sld [smem:$0x3F96];
	s0 =	simm.s32 @p1 $0x1  }
0x15: {  	[smem:$0x3FB3] =	sst s0;
	s0 =	simm.s32 @!p2 $0x0  }
0x16: {  	s3 =	sld [smem:$0x3FDB];
	s0 =	simm.s32 @p2 $0x1  }
0x17: {  	s4 =	simm.s32 $0x1BF5;
	[smem:$0x3FB5] =	sst s0  }
0x18: {  	s0 =	sld [smem:$0x3F98];
	_ =	swait.ge [sflag:s4], $0x0  }
0x19: {  	s7 =	sld [smem:$0x3F99]  }
0x1a: {  	s8 =	sadd.s32 $0xFFFFE003, lr  }
0x1b: {  	s9 =	sadd.s32 $0xFFFFFEF7, lr;
	s5 =	simm.s32 $0xFFFFFFFF;
	p2 =	slt.u32 s8, $0xFFFFF086  }
0x1c: {  	p1 =	slt.u32 s9, $0xF7A;
	s5 =	simm.s32 @!p2 $0x0  }
0x1d: {  	s5 =	simm.s32 @p1 $0x1;
	p0 =	seq.s32 s7, s2  }
0x1e: {  	s7 =	smul.u32 @!p0 $0xF7A, s2;
	p2 =	seq.s32 @!p0 s5, $0x0  }
0x1f: {  	s9 =	smul.u32 $0xF7A, s1;
	s8 =	simm.s32 @!p0 $0x1BF5;
	p2 =	por !p2, p0  }
0x20: {  	[sflag:s8] =	ssyncset.s32 @!p0 $0xFFFFF086;
	s6 =	sadd.s32 @!p0 s3, s7;
	s7 =	simm.s32 @!p0 $0x108  }
0x21: {  	s3 =	sadd.s32 s3, s9;
	s6 =	sadd.s32 @!p0 $0x88, s6;
	s7 =	simm.s32 @p2 $0x1082  }
0x22: {  	[simem:s7], [sflag:s8] =	dma.local @!p0 [hbm:s6], $0xF7A  }
0x23: {  	s9 =	sor.u32 $0xD0000000, s2;
	s6 =	simm.s32 $0x108;
	_ =	swait.ge @!p0 [sflag:s8], $0x0  }
0x24: {  	s3 =	sadd.s32 $0x88, s3;
	s6 =	simm.s32 @!p1 $0x1082;
	[sflag:s4] =	ssyncset.s32 $0xFFFFF086  }
0x25: {  	[simem:s6], [sflag:s4] =	dma.local [hbm:s3], $0xF7A  }
0x26: {  	[smem:$0x3F99] =	sst s1;
	(tag) =	ssettag s2;
	_ =	strace s9  }
0x27: {  	s1 =	sld [smem:$0x3FA9]  }
0x28: {  	s2 =	sld [smem:$0x3FAA]  }
0x29: {  	s4 =	sld [smem:$0x3FAC]  }
0x2a: {  	p0 =	seq.s32 s5, $0x0;
	s5 =	sld [smem:$0x3FAD]  }
0x2b: {  	s6 =	sld [smem:$0x3FAE]  }
0x2c: {  	s7 =	sld [smem:$0x3FAF]  }
0x2d: {  	s3 =	simm.s32 $0x108;
	s8 =	sld [smem:$0x3FB0]  }
0x2e: {  	s3 =	simm.s32 @!p0 $0x1082;
	s9 =	sld [smem:$0x3FB1]  }
0x2f: {  	lr =	sadd.s32 s0, s3;
	s0 =	sld [smem:$0x3FA8]  }
0x30: {  	s3 =	sld [smem:$0x3FAB]  }
0x31: {  	[smem:$0x3FB4] =	sst s10  }
0x32: {  	s10 =	sld [smem:$0x3FB2];
	_ =	sdelay $0x3  }
0x33: {  	p0 =	seq.s32 s10, $0x1;
	s10 =	sld [smem:$0x3FB4];
	_ =	sdelay $0x3  }
0x34: {  	[smem:$0x3FB4] =	sst s10  }
0x35: {  	s10 =	sld [smem:$0x3FB3];
	_ =	sdelay $0x3  }
0x36: {  	p1 =	seq.s32 s10, $0x1;
	s10 =	sld [smem:$0x3FB4];
	_ =	sdelay $0x3  }
0x37: {  	[smem:$0x3FB4] =	sst s10  }
0x38: {  	s10 =	sld [smem:$0x3FB5]  }
0x39: {  	_ = 	snop;
	(pc) =	sbr.ind lr, $3  }
0x3a: {  	_ = 	snop  }
0x3b: {  	_ = 	snop  }
0x3c: {  	p2 =	seq.s32 s10, $0x1;
	s10 =	sld [smem:$0x3FB4]  }
0x3d: {  	_ =	shalt  }
0x3e: {  	_ =	shalt  }
0x3f: {  	_ =	shalt  }
0x40: {  	_ =	shalt  }
0x41: {  	_ =	shalt  }
0x42: {  	_ =	shalt  }
0x43: {  	_ =	shalt  }
0x44: {  	_ =	shalt  }
0x45: {  	_ =	shalt  }
0x46: {  	_ =	shalt  }
0x47: {  	_ =	shalt  }
0x48: {  	_ =	shalt  }
0x49: {  	_ =	shalt  }
0x4a: {  	_ =	shalt  }
0x4b: {  	_ =	shalt  }
0x4c: {  	_ =	shalt  }
0x4d: {  	_ =	shalt  }
0x4e: {  	_ =	shalt  }
0x4f: {  	_ =	shalt  }
0x50: {  	_ =	shalt  }
0x51: {  	_ =	shalt  }
0x52: {  	_ =	shalt  }
0x53: {  	_ =	shalt  }
0x54: {  	_ =	shalt  }
0x55: {  	_ =	shalt  }
0x56: {  	_ =	shalt  }
0x57: {  	_ =	shalt  }
0x58: {  	_ =	shalt  }
0x59: {  	_ =	shalt  }
0x5a: {  	_ =	shalt  }
0x5b: {  	_ =	shalt  }
0x5c: {  	_ =	shalt  }
0x5d: {  	_ =	shalt  }
0x5e: {  	_ =	shalt  }
0x5f: {  	_ =	shalt  }
0x60: {  	_ =	shalt  }
0x61: {  	_ =	shalt  }
0x62: {  	_ =	shalt  }
0x63: {  	_ =	shalt  }
0x64: {  	_ =	shalt  }
0x65: {  	_ =	shalt  }
0x66: {  	_ =	shalt  }
0x67: {  	_ =	shalt  }
0x68: {  	_ =	shalt  }
0x69: {  	_ =	shalt  }
0x6a: {  	_ =	shalt  }
0x6b: {  	_ =	shalt  }
0x6c: {  	_ =	shalt  }
0x6d: {  	_ =	shalt  }
0x6e: {  	_ =	shalt  }
0x6f: {  	_ =	shalt  }
0x70: {  	_ =	shalt  }
0x71: {  	_ =	shalt  }
0x72: {  	_ =	shalt  }
0x73: {  	_ =	shalt  }
0x74: {  	_ =	shalt  }
0x75: {  	_ =	shalt  }
0x76: {  	_ =	shalt  }
0x77: {  	_ =	shalt  }
0x78: {  	_ =	shalt  }
0x79: {  	_ =	shalt  }
0x7a: {  	_ =	shalt  }
0x7b: {  	_ =	shalt  }
0x7c: {  	_ =	shalt  }
0x7d: {  	_ =	shalt  }
0x7e: {  	_ =	shalt  }
0x7f: {  	_ =	shalt  }
0x80: {  	_ =	shalt  }
0x81: {  	_ =	shalt  }
0x82: {  	_ =	shalt  }
0x83: {  	_ =	shalt  }
0x84: {  	_ =	shalt  }
0x85: {  	_ =	shalt  }
0x86: {  	_ =	shalt  }
0x87: {  	_ =	shalt  }
.Lfunc_end0:
.L_simem_size_0:
called_computation_lowered:
.L_overlay_start_0:
0x88: {  	s2 =	sld [smem:$0x3FD9]  }
0x89: {  	s3 =	sld [smem:$0x3FFE];
	_ =	sdelay $0x1  }
0x8a: {  	s1 =	srdreg.scid  }
0x8b: {  	s0 =	sand.u32 $0x1, s1  }
0x8c: {  	s17 =	sshll.u32 s0, $0xA;
	s2 =	sadd.s32 s3, s2  }
0x8d: {  	s2 =	sadd.s32 s2, s17  }
0x8e: {  	[smem:$0x3FC0] =	sst s2  }
0x8f: {  	_ = 	snop  }
0x90: {  	s2 =	sld [smem:$0x3FD0];
	(tm) =	ssettm $0x1  }
0x91: {  	s18 =	sld [smem:$0x3FFB];
	_ =	sdelay $0x3  }
0x92: {  	_ =	strace s18  }
0x93: {  	s3 =	sld [smem:$0x3FFC];
	_ =	sdelay $0x3  }
0x94: {  	_ =	strace s3  }
0x95: {  	s3 =	sld [smem:$0x3FFD];
	_ =	sdelay $0x3  }
0x96: {  	_ =	strace s3  }
0x97: {  	_ =	strace $0x8FFFFFFF  }
0x98: {  	s19 =	sld [smem:$0x3FDB];
	_ =	sdelay $0x1  }
0x99: {  	s4 =	simm.s32 $_scs_section_size  }
0x9a: {  	s5 =	simm.s32 $_size__tile_overlayer_lowered;
	s6 =	simm.s32 $_tile_overlayer_lowered  }
0x9b: {  	s22 =	simm.s32 $0x1BFF;
	s21 =	sshll.u32 s6, $0x1;
	s3 =	sadd.s32 s4, s19  }
0x9c: {  	s7 =	simm.s32 $0x0;
	s20 =	sshll.u32 s5, $0x1;
	s5 =	sadd.s32 s21, s3  }
0x9d: {  	[timem:s7], [sflag:s22] =	dma.local [hbm:s5], s20  }
0x9e: {  	_ =	swait.ge [sflag:s22], s20  }
0x9f: {  	s4 =	ssub.s32 $0x0, s20;
	[sflag:s22] =	ssyncset.done $0x0  }
0xa0: {  	[sflag:s22] =	ssyncadd.s32 s4;
	_ =	sdelay $0x1  }
0xa1: {  	s23 =	simm.s32 $0x1B8B  }
0xa2: {  	_ =	swait.ge [sflag:s23], $0x1  }
0xa3: {  	[sflag:s23] =	ssyncset.done $0x0  }
0xa4: {  	s25 =	simm.s32 $0x1B8E;
	s24 =	sld [smem:$0x3FFE];
	[sflag:s23] =	ssyncadd.s32 $0xFFFFFFFF  }
0xa5: {  	s26 =	simm.s32 $execute0_lowered;
	[smem:$0x3FD2] =	sst s25  }
0xa6: {  	s5 =	sshll.u32 s26, $0x1;
	_ =	strace $0x80000046;
	[dreg:$0x1] =	wrdreg $0xFFFFFFFF  }
0xa7: {  	s28 =	simm.s32 $_size_execute0_lowered;
	s3 =	sadd.s32 s3, s5;
	[dreg:$0x0] =	wrdreg $0x0  }
0xa8: {  	s5 =	sshll.u32 s28, $0x1;
	[dreg:$0x2] =	wrdreg s3  }
0xa9: {  	[dreg:$0x3] =	wrdreg s5  }
0xaa: {  	[dreg:$0x4] =	wrdreg $0xC0  }
0xab: {  	_ =	task [dreg:s7], $0x5FFFF  }
0xac: {  	[dreg:$0x1] =	wrdreg $0xFFFFFFFF  }
0xad: {  	[dreg:$0x0] =	wrdreg $0x60  }
0xae: {  	[dreg:$0x2] =	wrdreg s24  }
0xaf: {  	[dreg:$0x3] =	wrdreg s2  }
0xb0: {  	[dreg:$0x4] =	wrdreg $0x31000  }
0xb1: {  	[dreg:$0x5] =	wrdreg $0x9  }
0xb2: {  	_ =	task.clear_ibuf [dreg:s7], $0x6FFFF;
	_ =	strace $0x90000046  }
0xb3: {  	s29 =	simm.s32 $0x9;
	_ =	strace $0x80000048  }
0xb4: {  	_ =	swait.ge [sflag:s29], $0x1  }
0xb5: {  	[sflag:s29] =	ssyncadd.s32 $0xFFFFFFFF  }
0xb6: {  	_ =	strace $0x90000048  }
0xb7: {  	_ =	sfence  }
0xb8: {  	s30 =	sld [smem:$0x0];
	_ =	sdelay $0x2  }
0xb9: {  	s31 =	sshll.u32 s1, $0xD;
	s1 =	sshrl.u32 s1, $0x2  }
0xba: {  	s3 =	sand.u32 $0x4000, s31;
	s1 =	sadd.s32 s1, s30  }
0xbb: {  	s0 =	sor.u32 s3, s0;
	s1 =	sshll.u32 s1, $0x11  }
0xbc: {  	s0 =	sor.u32 s1, s0  }
0xbd: {  	s0 =	sadd.s32 $0x8F2B, s0  }
0xbe: {  	[sflag:s0] =	ssyncadd.remote.s32 $0x1  }
0xbf: {  	_ =	sfence.sel $0xFFFF  }
0xc0: {  	[dreg:$0x0] =	wrdreg $0xFFFFFFFF;
	(pc) =	sbr.abs _section_cstart, $3  }
0xc1: {  	[dreg:$0x1] =	wrdreg $0xFFFFFFFF  }
0xc2: {  	_ =	task.clear_ibuf [dreg:s7], $0x2FFFF;
	_ =	strace $0x9FFFFFFF  }
0xc3: {  	(tm) =	ssettm $0x7FFFFFFF  }
tec
execute0_lowered:
.L_overlay_start_1:
0x0: {  	(tag) =	ssettag $0x1  }
0x1: {  	s5 =	rddreg [dreg:$0x0]  }
0x2: {  	s10 =	rddreg [dreg:$0x1]  }
0x3: {  	s1 =	rddreg [dreg:$0x2];
	s2 =	srdreg.scid  }
0x4: {  	s0 =	rddreg [dreg:$0x3];
	s3 =	simm.s32 $0x0;
	s6 =	sand.u32 $0x1, s2  }
0x5: {  	s15 =	simm.s32 $0x50;
	s2 =	stileid.u32;
	s7 =	smul.u32 $0x27100, s6  }
0x6: {  	s16 =	simm.s32 $0x100;
	s17 =	simm.s32 $0x1;
	s8 =	smul.u32 $0x2710, s2  }
0x7: {  	s18 =	simm.s32 $0x0;
	[smem:$0x7FF] =	sst s3;
	s9 =	smul.u32 $0x4E000, s2  }
0x8: {  	s4 =	sadd.s32 $0xB400, s5;
	s13 =	sadd.s32 $0x32600, s5;
	s26 =	smul.u32 $0x138800, s6  }
0x9: {  	_ =	strace $0x80000047;
	s6 =	ssub.s32 $0x2, s6;
	s28 =	smul.u32 $0x13800, s2  }
0xa: {  	p0 =	sne.s32 s2, $0xF;
	s29 =	sshrl.u32 s6, $0x1;
	s7 =	sadd.s32 s8, s7  }
0xb: {  	s14 =	ssub.s32 s6, s29;
	s30 =	sshrl.u32 s9, $0x2;
	s31 =	sadd.s32 s28, s26  }
0xc: {  	s8 =	sshrl.u32 s26, $0x3;
	s6 =	sadd.s32 $0x138000, s1;
	s11 =	sshrl.u32 s7, $0x3  }
0xd: {  	s7 =	sshrl.u32 s31, $0x3;
	s8 =	sadd.s32 s13, s8;
	s9 =	smax.u32 s14, $0x1  }
0xe: {  	s14 =	simm.s32 $0x80;
	s12 =	sadd.s32 s11, s5;
	s5 =	sadd.s32 s30, s1  }
0xf: {  	s7 =	sadd.s32 s13, s7;
	s8 =	sadd.s32 $0x27000, s8;
	s10 =	sadd.s32 s11, s10  }
0x10: {  	v0 =	vimm.f32 $0.0e+00;
	s13 =	simm.s32 $0x2;
	s11 =	sadd.s32 $0x1600, s12;
	s12 =	simm.s32 $0x2900  }
.LBB2_1:
0x11: {  	s19 =	simm.s32 $0x0;
	s20 =	simm.s32 $0x0  }
.LBB2_2:
0x12: {  	p1 =	sne.s32 s20, $0x1FC0  }
.Ltmp0:
0x13: {  	_ = 	snop;
	(pc) =	sbr.rel @p1 .LBB2_2-.Ltmp0, $4  }
0x14: {  	s21 =	sand.u32 $0x1E00, s20  }
0x15: {  	s22 =	sand.u32 $0x70, s19;
	s21 =	sshrl.u32 s21, $0x2  }
0x16: {  	s21 =	sor.u32 s22, s21  }
0x17: {  	s19 =	sadd.s32 $0x10, s19;
	s20 =	sadd.s32 $0x40, s20;
	[tilespmem:s21+$0x2900] =	vst v0  }
0x18: {  	s19 =	sadd.s32 $0x0, s5  }
0x19: {  	[spmem:s19] =	stream.linear.scatter [tilespmem:s12], [sflag:$0x2], $0x800, $0x38;
	[tilespmem:$0x16980] =	vst v63  }
0x1a: {  	s19 =	simm.s32 $0x2000;
	_ =	swait.ge [sflag:s13], $0x800  }
.LBB2_4:
0x1b: {  	s20 =	sshra.s32 s19, $0x2;
	[sflag:s13] =	ssyncset.done $0x0;
	p1 =	sne.s32 s19, $0x4C000  }
.Ltmp1:
0x1c: {  	s20 =	sadd.s32 s20, s5;
	[sflag:s13] =	ssyncadd.s32 $0xFFFFF800;
	(pc) =	sbr.rel @p1 .LBB2_4-.Ltmp1, $3  }
0x1d: {  	[spmem:s20] =	stream.linear.scatter [tilespmem:s12], [sflag:$0x2], $0x800, $0x38;
	[tilespmem:$0x16980] =	vst v63  }
0x1e: {  	s19 =	sadd.s32 $0x2000, s19;
	_ =	sdelay $0x1  }
0x1f: {  	_ =	swait.ge [sflag:s13], $0x800  }
0x20: {  	[sflag:s13] =	ssyncset.done $0x0  }
0x21: {  	s19 =	simm.s32 @!p0 $0x2900;
	[sflag:s13] =	ssyncadd.s32 $0xFFFFF800  }
0x22: {  	[spmem:s6] =	stream.linear.scatter @!p0 [tilespmem:s19], [sflag:$0x2], $0x800, $0x38;
	[tilespmem:$0x16980] =	vst v63  }
0x23: {  	s19 =	simm.s32 @!p0 $0x2  }
0x24: {  	_ =	swait.ge @!p0 [sflag:s19], $0x800  }
0x25: {  	[sflag:s19] =	ssyncset.done @!p0 $0x0  }
0x26: {  	[sflag:s19] =	ssyncadd.s32 @!p0 $0xFFFFF800  }
0x27: {  	s30 =	sadd.s32 $0x0, s11;
	[bflag:$0x0] =	sbarrier.arrive $0xFFFF  }
0x28: {  	[tilespmem:s3], [sflag:$0x2] =	stream.linear.gather [hbm4b:s30+s3], $0x50, $0x38;
	[tilespmem:$0x16980] =	vst v63  }
0x29: {  	_ =	swait.ge [sflag:s13], $0x50  }
0x2a: {  	[sflag:s13] =	ssyncset.done $0x0  }
0x2b: {  	s31 =	sadd.s32 $0x0, s10;
	[sflag:s13] =	ssyncadd.s32 $0xFFFFFFB0  }
0x2c: {  	[tilespmem:s14], [sflag:$0x2] =	stream.linear.gather [hbm4b:s31+s3], $0x50, $0x38;
	[tilespmem:$0x16980] =	vst v63  }
0x2d: {  	_ =	swait.ge [sflag:s13], $0x50  }
0x2e: {  	[sflag:s13] =	ssyncset.done $0x0  }
0x2f: {  	[sflag:s13] =	ssyncadd.s32 $0xFFFFFFB0  }
0x30: {  	[tilespmem:s16], [sflag:$0x1] =	stream.indirect.gather [hbm4b:s4+s15], $0x80, s3, s15, $0xb8;
	[tilespmem:$0x16980] =	vst v63  }
0x31: {  	_ =	swait.ge [sflag:s17], $0x2800  }
0x32: {  	[sflag:s17] =	ssyncset.done $0x0  }
0x33: {  	[sflag:s17] =	ssyncadd.s32 $0xFFFFD800  }
0x34: {  	[spmem:s1] =	stream.indirect.scatter.add.f32 [tilespmem:s16], [sflag:$0x2], $0x80, s14, s15, $0xb8;
	[tilespmem:$0x16980] =	vst v63  }
0x35: {  	_ =	swait.ge [sflag:s13], $0x2800  }
0x36: {  	s20 =	simm.s32 $0x14;
	s19 =	simm.s32 $0xA;
	[sflag:s13] =	ssyncset.done $0x0  }
.LBB2_6:
0x37: {  	s21 =	sadd.s32 s19, s11  }
0x38: {  	[sflag:s13] =	ssyncadd.s32 $0xFFFFD800;
	s22 =	smov.u32 s20;
	s23 =	sadd.s32 $0xA, s20  }
0x39: {  	[tilespmem:s3], [sflag:$0x2] =	stream.linear.gather [hbm4b:s21+s3], $0x50, $0x38;
	[tilespmem:$0x16980] =	vst v63  }
0x3a: {  	p1 =	sne.s32 s20, $0x4D8;
	_ =	swait.ge [sflag:s13], $0x50  }
0x3b: {  	[sflag:s13] =	ssyncset.done $0x0  }
0x3c: {  	s20 =	sadd.s32 s19, s10;
	s19 =	smov.u32 s22;
	[sflag:s13] =	ssyncadd.s32 $0xFFFFFFB0  }
0x3d: {  	[tilespmem:s14], [sflag:$0x2] =	stream.linear.gather [hbm4b:s20+s3], $0x50, $0x38;
	[tilespmem:$0x16980] =	vst v63  }
0x3e: {  	_ =	swait.ge [sflag:s13], $0x50  }
0x3f: {  	[sflag:s13] =	ssyncset.done $0x0  }
0x40: {  	[sflag:s13] =	ssyncadd.s32 $0xFFFFFFB0  }
0x41: {  	[tilespmem:s16], [sflag:$0x1] =	stream.indirect.gather [hbm4b:s4+s15], $0x80, s3, s15, $0xb8;
	[tilespmem:$0x16980] =	vst v63  }
0x42: {  	_ =	swait.ge [sflag:s17], $0x2800  }
.Ltmp2:
0x43: {  	[sflag:s17] =	ssyncset.done $0x0;
	(pc) =	sbr.rel @p1 .LBB2_6-.Ltmp2, $4  }
0x44: {  	[sflag:s17] =	ssyncadd.s32 $0xFFFFD800  }
0x45: {  	[spmem:s1] =	stream.indirect.scatter.add.f32 [tilespmem:s16], [sflag:$0x2], $0x80, s14, s15, $0xb8;
	[tilespmem:$0x16980] =	vst v63  }
0x46: {  	_ =	swait.ge [sflag:s13], $0x2800  }
0x47: {  	s20 =	smov.u32 s23;
	[sflag:s13] =	ssyncset.done $0x0  }
0x48: {  	s20 =	sadd.s32 s19, s11;
	[sflag:s13] =	ssyncadd.s32 $0xFFFFD800  }
0x49: {  	[tilespmem:s3], [sflag:$0x2] =	stream.linear.gather [hbm4b:s20+s3], $0x50, $0x38;
	[tilespmem:$0x16980] =	vst v63  }
0x4a: {  	_ =	swait.ge [sflag:s13], $0x50  }
0x4b: {  	[sflag:s13] =	ssyncset.done $0x0  }
0x4c: {  	s29 =	sadd.s32 s19, s10;
	[sflag:s13] =	ssyncadd.s32 $0xFFFFFFB0  }
0x4d: {  	[tilespmem:s14], [sflag:$0x2] =	stream.linear.gather [hbm4b:s29+s3], $0x50, $0x38;
	[tilespmem:$0x16980] =	vst v63  }
0x4e: {  	_ =	swait.ge [sflag:s13], $0x50  }
0x4f: {  	[sflag:s13] =	ssyncset.done $0x0  }
0x50: {  	[sflag:s13] =	ssyncadd.s32 $0xFFFFFFB0  }
0x51: {  	[tilespmem:s16], [sflag:$0x1] =	stream.indirect.gather [hbm4b:s4+s15], $0x80, s3, s15, $0xb8;
	[tilespmem:$0x16980] =	vst v63  }
0x52: {  	_ =	swait.ge [sflag:s17], $0x2800  }
0x53: {  	[sflag:s17] =	ssyncset.done $0x0  }
0x54: {  	[sflag:s17] =	ssyncadd.s32 $0xFFFFD800  }
0x55: {  	[spmem:s1] =	stream.indirect.scatter.add.f32 [tilespmem:s16], [sflag:$0x2], $0x80, s14, s15, $0xb8;
	[tilespmem:$0x16980] =	vst v63  }
0x56: {  	_ =	swait.ge [sflag:s13], $0x2800  }
0x57: {  	[sflag:s13] =	ssyncset.done $0x0  }
0x58: {  	s30 =	sshll.u32 s2, $0x6;
	[sflag:s13] =	ssyncadd.s32 $0xFFFFD800  }
0x59: {  	s31 =	sshrl.u32 s5, $0x3;
	s19 =	sor.u32 $0x1C02, s30;
	[bflag:$0x0] =	sbarrier.arrive $0xFFFF  }
0x5a: {  	[hbm:s7], [sflag:s19] =	dma.local [spmem:s31], $0x2700  }
0x5b: {  	_ =	swait.ge [sflag:s13], $0x2700  }
0x5c: {  	s18 =	sadd.s32 $0x1, s18;
	[sflag:s13] =	ssyncset.done $0x0  }
0x5d: {  	s20 =	sshrl.u32 @!p0 s6, $0x3;
	p1 =	sne.s32 s18, s9;
	[sflag:s13] =	ssyncadd.s32 $0xFFFFD900  }
0x5e: {  	[hbm:s8], [sflag:s19] =	dma.local @!p0 [spmem:s20], $0x100  }
.Ltmp3:
0x5f: {  	_ = 	snop;
	(pc) =	sbr.rel @p1 .LBB2_1-.Ltmp3, $4  }
0x60: {  	s19 =	simm.s32 @!p0 $0x2  }
0x61: {  	_ =	swait.ge @!p0 [sflag:s19], $0x100  }
0x62: {  	[sflag:s19] =	ssyncset.done @!p0 $0x0  }
0x63: {  	[sflag:s19] =	ssyncadd.s32 @!p0 $0xFFFFFF00  }
0x64: {  	_ =	sfence.sel $0x180000  }
0x65: {  	[bflag:$0x0] =	sbarrier.arrive $0xFFFF  }
0x66: {  	p0 =	sne.s32 s2, $0x0;
	_ =	strace $0x90000047  }
0x67: {  	s0 =	sadd.s32 @!p0 $0x100000, s0;
	[bflag:$0x2] =	sbarrier.arrive $0xFFFF  }
0x68: {  	[sflag:s0] =	ssyncadd.tile.s32 @!p0 $0x1;
	_ =	shalt  }
.Lfunc_end2:
_tile_overlayer_lowered:
.L_overlay_start_2:
0x69: {  	(tag) =	ssettag $0x2  }
0x6a: {  	s0 =	rddreg [dreg:$0x0];
	s2 =	stileid.u32  }
0x6b: {  	s1 =	rddreg [dreg:$0x1];
	p0 =	sne.s32 s2, $0x0  }
0x6c: {  	s3 =	rddreg [dreg:$0x2];
	[bflag:$0x3] =	sbarrier.arrive $0xFFFF;
	s2 =	simm.s32 @!p0 $0x1C02  }
0x6d: {  	[timem:s3], [sflag:s2] =	dma.local @!p0 [hbm:s0], s1  }
0x6e: {  	s0 =	simm.s32 @!p0 $0x2  }
0x6f: {  	_ =	swait.ge @!p0 [sflag:s0], s1  }
0x70: {  	s1 =	ssub.s32 @!p0 $0x0, s1;
	[sflag:s0] =	ssyncset.done @!p0 $0x0  }
0x71: {  	[sflag:s0] =	ssyncadd.s32 @!p0 s1  }
0x72: {  	[bflag:$0x3] =	sbarrier.arrive $0xFFFF  }
0x73: {  	_ =	shalt  }

</sc_bundles>
